<compile_context>
chip_gen: v7x
topology: tpu7x:2x2x1
jax: 0.10.2.dev20260603
libtpu: 0.0.44.dev20260713+nightly
codegen_flags: <defaults>
</compile_context>

<pallas_src>
import functools

import jax
import jax.numpy as jnp
from jax import lax
from jax.experimental import pallas as pl
from jax.experimental.pallas import tpu as pltpu
from jax.experimental.pallas import tpu_sc as plsc

N = 10000
E = 320000
D = 128
DOUT = 64
G = 64

NSC = 2
NT = 16
NW = NSC * NT
C = 125
J = 80
RA = 10240
RPT = RA // NT

J2 = J // 2
HW = 128

BR = 1000
NG = N // BR



_MESH = plsc.VectorSubcoreMesh(core_axis_name="c", subcore_axis_name="s")


@functools.partial(
    pl.kernel,
    out_type=jax.ShapeDtypeStruct((NSC, RA, HW), jnp.float32),
    mesh=_MESH,
    scratch_types=[
        pltpu.VMEM((J2, C), jnp.int32),
        pltpu.VMEM((C, HW), jnp.float32),
        pltpu.VMEM_SHARED((RA, HW), jnp.float32),
    ],
)
def _sc_hist(dst_hbm, ones_hbm, zrows_hbm, out_hbm, dst_v, ones_v, acc_sp):
    cc = lax.axis_index("c")
    ss = lax.axis_index("s")
    t = cc * NT + ss
    pltpu.sync_copy(zrows_hbm, acc_sp.at[pl.ds(ss * RPT, RPT)])
    pltpu.sync_copy(ones_hbm, ones_v)
    plsc.subcore_barrier()

    for seg in range(2):
        pltpu.sync_copy(dst_hbm.at[t, seg], dst_v)

        def body(j, carry):
            pltpu.sync_copy(ones_v, acc_sp.at[dst_v.at[j]], add=True)
            return carry

        lax.fori_loop(0, J2, body, 0)
    plsc.subcore_barrier()
    pltpu.sync_copy(acc_sp.at[pl.ds(ss * RPT, RPT)],
                    out_hbm.at[cc, pl.ds(ss * RPT, RPT)])


@functools.partial(
    pl.kernel,
    out_type=jax.ShapeDtypeStruct((NSC, RA, D), jnp.float32),
    mesh=_MESH,
    scratch_types=[
        pltpu.VMEM((J2, C), jnp.int32),
        pltpu.VMEM((J2, C), jnp.int32),
        pltpu.VMEM((C, D), jnp.float32),
        pltpu.VMEM((C, D), jnp.float32),
        pltpu.VMEM_SHARED((RA, D), jnp.float32),
        pltpu.SemaphoreType.DMA,
        pltpu.SemaphoreType.DMA,
    ],
)
def _sc_agg(src_hbm, dst_hbm, table_hbm, zrows_hbm, out_hbm,
            src_v, dst_v, rows_a, rows_b, acc_sp, sem_a, sem_b):
    cc = lax.axis_index("c")
    ss = lax.axis_index("s")
    t = cc * NT + ss
    pltpu.sync_copy(zrows_hbm, acc_sp.at[pl.ds(ss * RPT, RPT)])
    plsc.subcore_barrier()

    for seg in range(2):
        pltpu.sync_copy(src_hbm.at[t, seg], src_v)
        pltpu.sync_copy(dst_hbm.at[t, seg], dst_v)
        pltpu.async_copy(table_hbm.at[src_v.at[0]], rows_a, sem_a)

        def body(k, carry):
            ja = 2 * k
            pltpu.async_copy(table_hbm.at[src_v.at[ja + 1]], rows_b, sem_b)
            pltpu.make_async_copy(table_hbm.at[src_v.at[ja]], rows_a,
                                  sem_a).wait()
            pltpu.sync_copy(rows_a, acc_sp.at[dst_v.at[ja]], add=True)
            jn = jnp.minimum(ja + 2, J2 - 1)
            pltpu.async_copy(table_hbm.at[src_v.at[jn]], rows_a, sem_a)
            pltpu.make_async_copy(table_hbm.at[src_v.at[ja + 1]], rows_b,
                                  sem_b).wait()
            pltpu.sync_copy(rows_b, acc_sp.at[dst_v.at[ja + 1]], add=True)
            return carry

        lax.fori_loop(0, J2 // 2, body, 0)
        pltpu.make_async_copy(table_hbm.at[src_v.at[J2 - 1]], rows_a,
                              sem_a).wait()
    plsc.subcore_barrier()
    pltpu.sync_copy(acc_sp.at[pl.ds(ss * RPT, RPT)],
                    out_hbm.at[cc, pl.ds(ss * RPT, RPT)])



def _tc_matmul(x, W1):

    def body(x_ref, w_ref, h_ref):
        h_ref[...] = jnp.dot(x_ref[...], w_ref[...],
                             preferred_element_type=jnp.float32)

    return pl.pallas_call(
        body,
        grid=(NG,),
        in_specs=[
            pl.BlockSpec((BR, D), lambda i: (i, 0)),
            pl.BlockSpec((D, D), lambda i: (0, 0)),
        ],
        out_specs=pl.BlockSpec((BR, D), lambda i: (i, 0)),
        out_shape=jax.ShapeDtypeStruct((N, D), jnp.float32),
    )(x, W1)


def _tc_stage1(hist, h1):

    def body(h_ref, x_ref, dis_ref, g_ref):
        cnt = jnp.sum(h_ref[0] + h_ref[1], axis=1, keepdims=True) * (1.0 / HW)
        dis = lax.rsqrt(cnt + 1.0)
        dis_ref[...] = dis
        g_ref[...] = x_ref[...] * dis

    return pl.pallas_call(
        body,
        grid=(NG,),
        in_specs=[
            pl.BlockSpec((NSC, BR, HW), lambda i: (0, i, 0)),
            pl.BlockSpec((BR, D), lambda i: (i, 0)),
        ],
        out_specs=[
            pl.BlockSpec((BR, 1), lambda i: (i, 0)),
            pl.BlockSpec((BR, D), lambda i: (i, 0)),
        ],
        out_shape=[
            jax.ShapeDtypeStruct((N, 1), jnp.float32),
            jax.ShapeDtypeStruct((N, D), jnp.float32),
        ],
    )(hist, h1)


def _tc_stage2(agg, g1, dis, b1, W2):

    def body(a_ref, g_ref, dis_ref, b_ref, w_ref, g2_ref):
        dis = dis_ref[...]
        z = (a_ref[0] + a_ref[1] + g_ref[...]) * dis + b_ref[...]
        z = jnp.maximum(z, 0.0)
        g2_ref[...] = jnp.dot(z, w_ref[...],
                              preferred_element_type=jnp.float32) * dis

    return pl.pallas_call(
        body,
        grid=(NG,),
        in_specs=[
            pl.BlockSpec((NSC, BR, D), lambda i: (0, i, 0)),
            pl.BlockSpec((BR, D), lambda i: (i, 0)),
            pl.BlockSpec((BR, 1), lambda i: (i, 0)),
            pl.BlockSpec((1, D), lambda i: (0, 0)),
            pl.BlockSpec((D, D), lambda i: (0, 0)),
        ],
        out_specs=pl.BlockSpec((BR, D), lambda i: (i, 0)),
        out_shape=jax.ShapeDtypeStruct((N, D), jnp.float32),
    )(agg, g1, dis, b1, W2)


def _tc_stage3(agg, g2, dis, b2, batch_p, lin_W, lin_b):

    def body(a_ref, g_ref, dis_ref, b_ref, bat_ref, w_ref, lb_ref, out_ref,
             sums, cnts):
        i = pl.program_id(0)

        @pl.when(i == 0)
        def _():
            sums[...] = jnp.zeros_like(sums)
            cnts[...] = jnp.zeros_like(cnts)

        z = (a_ref[0] + a_ref[1] + g_ref[...]) * dis_ref[...] + b_ref[...]
        onehot = (bat_ref[...] == lax.broadcasted_iota(
            jnp.int32, (BR, G), 1)).astype(jnp.float32)
        dn = (((0,), (0,)), ((), ()))
        sums[...] += lax.dot_general(onehot, z, dn,
                                     preferred_element_type=jnp.float32)
        cnts[...] += lax.dot_general(onehot, jnp.ones((BR, D), jnp.float32),
                                     dn, preferred_element_type=jnp.float32)

        @pl.when(i == NG - 1)
        def _():
            pooled = sums[...] / jnp.maximum(cnts[...], 1.0)
            out_ref[...] = jnp.dot(pooled, w_ref[...],
                                   preferred_element_type=jnp.float32) + lb_ref[...]

    return pl.pallas_call(
        body,
        grid=(NG,),
        in_specs=[
            pl.BlockSpec((NSC, BR, D), lambda i: (0, i, 0)),
            pl.BlockSpec((BR, D), lambda i: (i, 0)),
            pl.BlockSpec((BR, 1), lambda i: (i, 0)),
            pl.BlockSpec((1, D), lambda i: (0, 0)),
            pl.BlockSpec((BR, 1), lambda i: (i, 0)),
            pl.BlockSpec((D, DOUT), lambda i: (0, 0)),
            pl.BlockSpec((1, DOUT), lambda i: (0, 0)),
        ],
        out_specs=pl.BlockSpec((G, DOUT), lambda i: (0, 0)),
        out_shape=jax.ShapeDtypeStruct((G, DOUT), jnp.float32),
        scratch_shapes=[
            pltpu.VMEM((G, D), jnp.float32),
            pltpu.VMEM((G, D), jnp.float32),
        ],
    )(agg, g2, dis, b2, batch_p, lin_W, lin_b)



def kernel(x, edge_index, batch, W1, b1, W2, b2, lin_W, lin_b):
    ei = edge_index.astype(jnp.int32)
    src_p = ei[0].reshape(NW, 2, J2, C)
    dst_p = ei[1].reshape(NW, 2, J2, C)

    batch_p = batch.astype(jnp.int32).reshape(N, 1)
    ones_c = jnp.ones((C, HW), jnp.float32)
    zrows = jnp.zeros((RPT, D), jnp.float32)

    hist = _sc_hist(dst_p, ones_c, zrows)
    h1 = _tc_matmul(x, W1)
    dis, g1 = _tc_stage1(hist, h1)
    agg1 = _sc_agg(src_p, dst_p, g1, zrows)
    g2 = _tc_stage2(agg1, g1, dis, b1.reshape(1, D), W2)
    agg2 = _sc_agg(src_p, dst_p, g2, zrows)
    out = _tc_stage3(agg2, g2, dis, b2.reshape(1, D), batch_p,
                     lin_W, lin_b.reshape(1, DOUT))
    return out

# --- scband reference (transcript-rebuilt; emitter-appended) ---
"""Pipeline reference for scband-my-gcn-87462714016644 (READ-ONLY COPY).

The authoritative reference and input builder live on the scoring server;
editing this copy changes nothing except your own understanding.
"""

import jax, jax.numpy as jnp
import numpy as np

N_NODES = 10000
N_EDGES = 320000
D_IN = 128
D_HID = 128
D_OUT = 64
N_GRAPHS = 64


def setup_inputs(seed: int = 0) -> dict:
    key = jax.random.key(seed)
    ks = jax.random.split(key, 10)
    x = jax.random.normal(ks[0], (N_NODES, D_IN), dtype=jnp.float32)
    edge_index = jax.random.randint(ks[1], (2, N_EDGES), 0, N_NODES, dtype=jnp.int64 if jax.config.jax_enable_x64 else jnp.int32)
    batch = jnp.sort(jax.random.randint(ks[2], (N_NODES,), 0, N_GRAPHS, dtype=jnp.int32))
    s1 = 1.0 / np.sqrt(D_IN)
    s2 = 1.0 / np.sqrt(D_HID)
    W1 = jax.random.uniform(ks[3], (D_IN, D_HID), jnp.float32, -s1, s1)
    b1 = jnp.zeros((D_HID,), jnp.float32)
    W2 = jax.random.uniform(ks[4], (D_HID, D_HID), jnp.float32, -s2, s2)
    b2 = jnp.zeros((D_HID,), jnp.float32)
    lin_W = jax.random.uniform(ks[5], (D_HID, D_OUT), jnp.float32, -s2, s2)
    lin_b = jax.random.uniform(ks[6], (D_OUT,), jnp.float32, -s2, s2)
    return {"x": x, "edge_index": edge_index, "batch": batch,
            "W1": W1, "b1": b1, "W2": W2, "b2": b2,
            "lin_W": lin_W, "lin_b": lin_b}


def _gcn_conv(x, W, b, src, dst, num_nodes):
    # PyG GCNConv: add self-loops, symmetric normalization, x' = D^-1/2 (A+I) D^-1/2 (X W) + b
    loop = jnp.arange(num_nodes, dtype=src.dtype)
    s = jnp.concatenate([src, loop])
    d = jnp.concatenate([dst, loop])
    deg = jnp.zeros((num_nodes,), jnp.float32).at[d].add(1.0)
    deg_inv_sqrt = jnp.where(deg > 0, jax.lax.rsqrt(deg), 0.0)
    norm = deg_inv_sqrt[s] * deg_inv_sqrt[d]
    h = x @ W
    msg = h[s] * norm[:, None]
    out = jnp.zeros((num_nodes, W.shape[1]), jnp.float32).at[d].add(msg)
    return out + b


def reference(x, edge_index, batch, W1, b1, W2, b2, lin_W, lin_b):
    src, dst = edge_index[0], edge_index[1]
    n = x.shape[0]
    h = _gcn_conv(x, W1, b1, src, dst, n)
    h = jax.nn.relu(h)
    # dropout is identity in deterministic/eval reference
    h = _gcn_conv(h, W2, b2, src, dst, n)
    # global mean pool over graphs
    sums = jax.ops.segment_sum(h, batch, num_segments=N_GRAPHS)
    cnts = jax.ops.segment_sum(jnp.ones((n,), jnp.float32), batch, num_segments=N_GRAPHS)
    pooled = sums / jnp.maximum(cnts, 1.0)[:, None]
    return pooled @ lin_W + lin_b

if __name__ == "__main__":
    import jax
    _d = setup_inputs()
    print(jax.jit(kernel)(*tuple(_d.values())))

</pallas_src>

<mosaic_0001>
#map = affine_map<(d0, d1) -> (0, 0, 0, 0)>
#map1 = affine_map<(d0, d1) -> (0, 0)>
#map2 = affine_map<(d0, d1) -> (0, 0, 0)>
module attributes {stable_mosaic.version = 14 : i64} {
  func.func @_sc_agg(%arg0: i32, %arg1: i32, %arg2: memref<32x2x40x125xi32, #tpu.memory_space<hbm>>, %arg3: memref<32x2x40x125xi32, #tpu.memory_space<hbm>>, %arg4: memref<10000x128xf32, #tpu.memory_space<hbm>>, %arg5: memref<640x128xf32, #tpu.memory_space<hbm>>, %arg6: memref<2x10240x128xf32, #tpu.memory_space<hbm>>, %arg7: memref<40x125xi32, #tpu.memory_space<vmem>>, %arg8: memref<40x125xi32, #tpu.memory_space<vmem>>, %arg9: memref<125x128xf32, #tpu.memory_space<vmem>>, %arg10: memref<125x128xf32, #tpu.memory_space<vmem>>, %arg11: memref<10240x128xf32, #tpu.memory_space<vmem_shared>>, %arg12: memref<!tpu.dma_semaphore, #tpu.memory_space<semaphore_mem>>, %arg13: memref<!tpu.dma_semaphore, #tpu.memory_space<semaphore_mem>>) attributes {dimension_semantics = [#tpu.dimension_semantics<core_parallel>, #tpu.dimension_semantics<subcore_parallel>], iteration_bounds = array<i64: 2, 16>, scalar_prefetch = 0 : i64, scratch_operands = 7 : i64, tpu.core_type = #tpu.core_type<sc_vector_subcore>, window_params = [{transform_indices = #map}, {transform_indices = #map}, {transform_indices = #map1}, {transform_indices = #map1}, {transform_indices = #map2}]} {
    %mul3A = arith.constant 16 : i32
    %mul3A_0 = arith.muli %arg0, %mul3A : i32
    %add3A = arith.addi %mul3A_0, %arg1 : i32
    %mul3A_1 = arith.constant 640 : i32
    %mul3A_2 = arith.muli %arg1, %mul3A_1 : i32
    "tpu.region"() ({
      %run_scoped3A_48 = tpu.sem_alloc : memref<!tpu.dma_semaphore, #tpu.memory_space<semaphore_mem>>
      %dma_start3A_49 = arith.constant 0 : i32
      %dma_start3A_50 = tpu.memref_slice %arg11[%mul3A_2, %dma_start3A_49] : memref<10240x128xf32, #tpu.memory_space<vmem_shared>> -> memref<640x128xf32, #tpu.memory_space<vmem_shared>>
      tpu.enqueue_dma source(%arg5 : memref<640x128xf32, #tpu.memory_space<hbm>>) target(%dma_start3A_50 : memref<640x128xf32, #tpu.memory_space<vmem_shared>>) target_semaphore(%run_scoped3A_48 : memref<!tpu.dma_semaphore, #tpu.memory_space<semaphore_mem>>)
      %dma_wait3A_51 = arith.constant 0 : i32
      %dma_wait3A_52 = tpu.memref_slice %arg11[%mul3A_2, %dma_wait3A_51] : memref<10240x128xf32, #tpu.memory_space<vmem_shared>> -> memref<640x128xf32, #tpu.memory_space<vmem_shared>>
      tpu.wait_dma2 semaphore(%run_scoped3A_48 : memref<!tpu.dma_semaphore, #tpu.memory_space<semaphore_mem>>) src(%arg5 : memref<640x128xf32, #tpu.memory_space<hbm>>) dst(%dma_wait3A_52 : memref<640x128xf32, #tpu.memory_space<vmem_shared>>)
      tpu.yield
    }) : () -> ()
    %barrier3A = arith.constant 0 : index
    tpu.barrier barrier_id(%barrier3A)
    %run_scoped3A = arith.constant 0 : i32
    "tpu.region"() ({
      %run_scoped3A_48 = tpu.sem_alloc : memref<!tpu.dma_semaphore, #tpu.memory_space<semaphore_mem>>
      %dma_start3A_49 = arith.constant 0 : i32
      %dma_start3A_50 = arith.constant 0 : i32
      %dma_start3A_51 = tpu.memref_slice %arg2[%add3A, %run_scoped3A, %dma_start3A_49, %dma_start3A_50] : memref<32x2x40x125xi32, #tpu.memory_space<hbm>> -> memref<1x1x40x125xi32, #tpu.memory_space<hbm>>
      %dma_start3A_52 = tpu.memref_squeeze %dma_start3A_51 : memref<1x1x40x125xi32, #tpu.memory_space<hbm>> -> memref<40x125xi32, #tpu.memory_space<hbm>>
      %dma_start3A_53 = arith.constant 0 : i32
      %dma_start3A_54 = arith.constant 0 : i32
      %dma_start3A_55 = tpu.memref_slice %arg2[%add3A, %run_scoped3A, %dma_start3A_53, %dma_start3A_54] : memref<32x2x40x125xi32, #tpu.memory_space<hbm>> -> memref<1x1x40x125xi32, #tpu.memory_space<hbm>>
      %dma_start3A_56 = tpu.memref_squeeze %dma_start3A_55 : memref<1x1x40x125xi32, #tpu.memory_space<hbm>> -> memref<40x125xi32, #tpu.memory_space<hbm>>
      tpu.enqueue_dma source(%dma_start3A_56 : memref<40x125xi32, #tpu.memory_space<hbm>>) target(%arg7 : memref<40x125xi32, #tpu.memory_space<vmem>>) target_semaphore(%run_scoped3A_48 : memref<!tpu.dma_semaphore, #tpu.memory_space<semaphore_mem>>)
      %dma_wait3A_57 = arith.constant 0 : i32
      %dma_wait3A_58 = arith.constant 0 : i32
      %dma_wait3A_59 = tpu.memref_slice %arg2[%add3A, %run_scoped3A, %dma_wait3A_57, %dma_wait3A_58] : memref<32x2x40x125xi32, #tpu.memory_space<hbm>> -> memref<1x1x40x125xi32, #tpu.memory_space<hbm>>
      %dma_wait3A_60 = tpu.memref_squeeze %dma_wait3A_59 : memref<1x1x40x125xi32, #tpu.memory_space<hbm>> -> memref<40x125xi32, #tpu.memory_space<hbm>>
      %dma_wait3A_61 = arith.constant 0 : i32
      %dma_wait3A_62 = arith.constant 0 : i32
      %dma_wait3A_63 = tpu.memref_slice %arg2[%add3A, %run_scoped3A, %dma_wait3A_61, %dma_wait3A_62] : memref<32x2x40x125xi32, #tpu.memory_space<hbm>> -> memref<1x1x40x125xi32, #tpu.memory_space<hbm>>
      %dma_wait3A_64 = tpu.memref_squeeze %dma_wait3A_63 : memref<1x1x40x125xi32, #tpu.memory_space<hbm>> -> memref<40x125xi32, #tpu.memory_space<hbm>>
      tpu.wait_dma2 semaphore(%run_scoped3A_48 : memref<!tpu.dma_semaphore, #tpu.memory_space<semaphore_mem>>) src(%dma_wait3A_64 : memref<40x125xi32, #tpu.memory_space<hbm>>) dst(%arg7 : memref<40x125xi32, #tpu.memory_space<vmem>>)
      tpu.yield
    }) : () -> ()
    %run_scoped3A_3 = arith.constant 0 : i32
    "tpu.region"() ({
      %run_scoped3A_48 = tpu.sem_alloc : memref<!tpu.dma_semaphore, #tpu.memory_space<semaphore_mem>>
      %dma_start3A_49 = arith.constant 0 : i32
      %dma_start3A_50 = arith.constant 0 : i32
      %dma_start3A_51 = tpu.memref_slice %arg3[%add3A, %run_scoped3A_3, %dma_start3A_49, %dma_start3A_50] : memref<32x2x40x125xi32, #tpu.memory_space<hbm>> -> memref<1x1x40x125xi32, #tpu.memory_space<hbm>>
      %dma_start3A_52 = tpu.memref_squeeze %dma_start3A_51 : memref<1x1x40x125xi32, #tpu.memory_space<hbm>> -> memref<40x125xi32, #tpu.memory_space<hbm>>
      %dma_start3A_53 = arith.constant 0 : i32
      %dma_start3A_54 = arith.constant 0 : i32
      %dma_start3A_55 = tpu.memref_slice %arg3[%add3A, %run_scoped3A_3, %dma_start3A_53, %dma_start3A_54] : memref<32x2x40x125xi32, #tpu.memory_space<hbm>> -> memref<1x1x40x125xi32, #tpu.memory_space<hbm>>
      %dma_start3A_56 = tpu.memref_squeeze %dma_start3A_55 : memref<1x1x40x125xi32, #tpu.memory_space<hbm>> -> memref<40x125xi32, #tpu.memory_space<hbm>>
      tpu.enqueue_dma source(%dma_start3A_56 : memref<40x125xi32, #tpu.memory_space<hbm>>) target(%arg8 : memref<40x125xi32, #tpu.memory_space<vmem>>) target_semaphore(%run_scoped3A_48 : memref<!tpu.dma_semaphore, #tpu.memory_space<semaphore_mem>>)
      %dma_wait3A_57 = arith.constant 0 : i32
      %dma_wait3A_58 = arith.constant 0 : i32
      %dma_wait3A_59 = tpu.memref_slice %arg3[%add3A, %run_scoped3A_3, %dma_wait3A_57, %dma_wait3A_58] : memref<32x2x40x125xi32, #tpu.memory_space<hbm>> -> memref<1x1x40x125xi32, #tpu.memory_space<hbm>>
      %dma_wait3A_60 = tpu.memref_squeeze %dma_wait3A_59 : memref<1x1x40x125xi32, #tpu.memory_space<hbm>> -> memref<40x125xi32, #tpu.memory_space<hbm>>
      %dma_wait3A_61 = arith.constant 0 : i32
      %dma_wait3A_62 = arith.constant 0 : i32
      %dma_wait3A_63 = tpu.memref_slice %arg3[%add3A, %run_scoped3A_3, %dma_wait3A_61, %dma_wait3A_62] : memref<32x2x40x125xi32, #tpu.memory_space<hbm>> -> memref<1x1x40x125xi32, #tpu.memory_space<hbm>>
      %dma_wait3A_64 = tpu.memref_squeeze %dma_wait3A_63 : memref<1x1x40x125xi32, #tpu.memory_space<hbm>> -> memref<40x125xi32, #tpu.memory_space<hbm>>
      tpu.wait_dma2 semaphore(%run_scoped3A_48 : memref<!tpu.dma_semaphore, #tpu.memory_space<semaphore_mem>>) src(%dma_wait3A_64 : memref<40x125xi32, #tpu.memory_space<hbm>>) dst(%arg8 : memref<40x125xi32, #tpu.memory_space<vmem>>)
      tpu.yield
    }) : () -> ()
    %dma_start3A = arith.constant 0 : i32
    %dma_start3A_4 = arith.constant 0 : i32
    %dma_start3A_5 = tpu.memref_slice %arg7[%dma_start3A, %dma_start3A_4] : memref<40x125xi32, #tpu.memory_space<vmem>> -> memref<1x125xi32, #tpu.memory_space<vmem>>
    %dma_start3A_6 = tpu.memref_squeeze %dma_start3A_5 : memref<1x125xi32, #tpu.memory_space<vmem>> -> memref<125xi32, #tpu.memory_space<vmem>>
    %dma_start3A_7 = arith.constant 0 : i32
    %dma_start3A_8 = arith.constant 0 : i32
    %dma_start3A_9 = tpu.memref_slice %arg4[%dma_start3A_7, %dma_start3A_8] : memref<10000x128xf32, #tpu.memory_space<hbm>> -> memref<10000x128xf32, #tpu.memory_space<hbm>>
    tpu.enqueue_indirect_dma source(%dma_start3A_9 : memref<10000x128xf32, #tpu.memory_space<hbm>>) target(%arg9 : memref<125x128xf32, #tpu.memory_space<vmem>>) offsets(%dma_start3A_6 : memref<125xi32, #tpu.memory_space<vmem>>) semaphore(%arg12 : memref<!tpu.dma_semaphore, #tpu.memory_space<semaphore_mem>>)
    %scan3A = arith.constant 0 : i32
    %scan3A_10 = arith.constant 0 : i32
    %scan3A_11 = arith.constant 20 : i32
    %scan3A_12 = arith.addi %scan3A_10, %scan3A_11 : i32
    %scan3A_13 = arith.constant 1 : i32
    scf.for %scan3A_48 = %scan3A_10 to %scan3A_12 step %scan3A_13  : i32 {
      %mul3A_49 = arith.constant 2 : i32
      %mul3A_50 = arith.muli %mul3A_49, %scan3A_48 : i32
      %add3A_51 = arith.constant 1 : i32
      %add3A_52 = arith.addi %mul3A_50, %add3A_51 : i32
      %dma_start3A_53 = arith.constant 0 : i32
      %dma_start3A_54 = tpu.memref_slice %arg7[%add3A_52, %dma_start3A_53] : memref<40x125xi32, #tpu.memory_space<vmem>> -> memref<1x125xi32, #tpu.memory_space<vmem>>
      %dma_start3A_55 = tpu.memref_squeeze %dma_start3A_54 : memref<1x125xi32, #tpu.memory_space<vmem>> -> memref<125xi32, #tpu.memory_space<vmem>>
      %dma_start3A_56 = arith.constant 0 : i32
      %dma_start3A_57 = arith.constant 0 : i32
      %dma_start3A_58 = tpu.memref_slice %arg4[%dma_start3A_56, %dma_start3A_57] : memref<10000x128xf32, #tpu.memory_space<hbm>> -> memref<10000x128xf32, #tpu.memory_space<hbm>>
      tpu.enqueue_indirect_dma source(%dma_start3A_58 : memref<10000x128xf32, #tpu.memory_space<hbm>>) target(%arg10 : memref<125x128xf32, #tpu.memory_space<vmem>>) offsets(%dma_start3A_55 : memref<125xi32, #tpu.memory_space<vmem>>) semaphore(%arg13 : memref<!tpu.dma_semaphore, #tpu.memory_space<semaphore_mem>>)
      %dma_wait3A_59 = arith.constant 0 : i32
      %dma_wait3A_60 = tpu.memref_slice %arg7[%mul3A_50, %dma_wait3A_59] : memref<40x125xi32, #tpu.memory_space<vmem>> -> memref<1x125xi32, #tpu.memory_space<vmem>>
      %dma_wait3A_61 = tpu.memref_squeeze %dma_wait3A_60 : memref<1x125xi32, #tpu.memory_space<vmem>> -> memref<125xi32, #tpu.memory_space<vmem>>
      %dma_wait3A_62 = arith.constant 0 : i32
      %dma_wait3A_63 = arith.constant 0 : i32
      %dma_wait3A_64 = tpu.memref_slice %arg4[%dma_wait3A_62, %dma_wait3A_63] : memref<10000x128xf32, #tpu.memory_space<hbm>> -> memref<10000x128xf32, #tpu.memory_space<hbm>>
      tpu.wait_indirect_dma semaphore(%arg12 : memref<!tpu.dma_semaphore, #tpu.memory_space<semaphore_mem>>) src(%dma_wait3A_64 : memref<10000x128xf32, #tpu.memory_space<hbm>>) dst(%arg9 : memref<125x128xf32, #tpu.memory_space<vmem>>)
      "tpu.region"() ({
        %run_scoped3A_84 = tpu.sem_alloc : memref<!tpu.dma_semaphore, #tpu.memory_space<semaphore_mem>>
        %dma_start3A_85 = arith.constant 0 : i32
        %dma_start3A_86 = tpu.memref_slice %arg8[%mul3A_50, %dma_start3A_85] : memref<40x125xi32, #tpu.memory_space<vmem>> -> memref<1x125xi32, #tpu.memory_space<vmem>>
        %dma_start3A_87 = tpu.memref_squeeze %dma_start3A_86 : memref<1x125xi32, #tpu.memory_space<vmem>> -> memref<125xi32, #tpu.memory_space<vmem>>
        %dma_start3A_88 = arith.constant 0 : i32
        %dma_start3A_89 = arith.constant 0 : i32
        %dma_start3A_90 = tpu.memref_slice %arg11[%dma_start3A_88, %dma_start3A_89] : memref<10240x128xf32, #tpu.memory_space<vmem_shared>> -> memref<10240x128xf32, #tpu.memory_space<vmem_shared>>
        tpu.enqueue_indirect_dma source(%arg9 : memref<125x128xf32, #tpu.memory_space<vmem>>) target(%dma_start3A_90 : memref<10240x128xf32, #tpu.memory_space<vmem_shared>>) offsets(%dma_start3A_87 : memref<125xi32, #tpu.memory_space<vmem>>) semaphore(%run_scoped3A_84 : memref<!tpu.dma_semaphore, #tpu.memory_space<semaphore_mem>>) {add = true}
        %dma_wait3A_91 = arith.constant 0 : i32
        %dma_wait3A_92 = tpu.memref_slice %arg8[%mul3A_50, %dma_wait3A_91] : memref<40x125xi32, #tpu.memory_space<vmem>> -> memref<1x125xi32, #tpu.memory_space<vmem>>
        %dma_wait3A_93 = tpu.memref_squeeze %dma_wait3A_92 : memref<1x125xi32, #tpu.memory_space<vmem>> -> memref<125xi32, #tpu.memory_space<vmem>>
        %dma_wait3A_94 = arith.constant 0 : i32
        %dma_wait3A_95 = arith.constant 0 : i32
        %dma_wait3A_96 = tpu.memref_slice %arg11[%dma_wait3A_94, %dma_wait3A_95] : memref<10240x128xf32, #tpu.memory_space<vmem_shared>> -> memref<10240x128xf32, #tpu.memory_space<vmem_shared>>
        tpu.wait_indirect_dma semaphore(%run_scoped3A_84 : memref<!tpu.dma_semaphore, #tpu.memory_space<semaphore_mem>>) src(%arg9 : memref<125x128xf32, #tpu.memory_space<vmem>>) dst(%dma_wait3A_96 : memref<10240x128xf32, #tpu.memory_space<vmem_shared>>)
        tpu.yield
      }) : () -> ()
      %add3A_65 = arith.constant 2 : i32
      %add3A_66 = arith.addi %mul3A_50, %add3A_65 : i32
      %min3A = arith.constant 39 : i32
      %min3A_67 = arith.minsi %add3A_66, %min3A : i32
      %dma_start3A_68 = arith.constant 0 : i32
      %dma_start3A_69 = tpu.memref_slice %arg7[%min3A_67, %dma_start3A_68] : memref<40x125xi32, #tpu.memory_space<vmem>> -> memref<1x125xi32, #tpu.memory_space<vmem>>
      %dma_start3A_70 = tpu.memref_squeeze %dma_start3A_69 : memref<1x125xi32, #tpu.memory_space<vmem>> -> memref<125xi32, #tpu.memory_space<vmem>>
      %dma_start3A_71 = arith.constant 0 : i32
      %dma_start3A_72 = arith.constant 0 : i32
      %dma_start3A_73 = tpu.memref_slice %arg4[%dma_start3A_71, %dma_start3A_72] : memref<10000x128xf32, #tpu.memory_space<hbm>> -> memref<10000x128xf32, #tpu.memory_space<hbm>>
      tpu.enqueue_indirect_dma source(%dma_start3A_73 : memref<10000x128xf32, #tpu.memory_space<hbm>>) target(%arg9 : memref<125x128xf32, #tpu.memory_space<vmem>>) offsets(%dma_start3A_70 : memref<125xi32, #tpu.memory_space<vmem>>) semaphore(%arg12 : memref<!tpu.dma_semaphore, #tpu.memory_space<semaphore_mem>>)
      %add3A_74 = arith.constant 1 : i32
      %add3A_75 = arith.addi %mul3A_50, %add3A_74 : i32
      %dma_wait3A_76 = arith.constant 0 : i32
      %dma_wait3A_77 = tpu.memref_slice %arg7[%add3A_75, %dma_wait3A_76] : memref<40x125xi32, #tpu.memory_space<vmem>> -> memref<1x125xi32, #tpu.memory_space<vmem>>
      %dma_wait3A_78 = tpu.memref_squeeze %dma_wait3A_77 : memref<1x125xi32, #tpu.memory_space<vmem>> -> memref<125xi32, #tpu.memory_space<vmem>>
      %dma_wait3A_79 = arith.constant 0 : i32
      %dma_wait3A_80 = arith.constant 0 : i32
      %dma_wait3A_81 = tpu.memref_slice %arg4[%dma_wait3A_79, %dma_wait3A_80] : memref<10000x128xf32, #tpu.memory_space<hbm>> -> memref<10000x128xf32, #tpu.memory_space<hbm>>
      tpu.wait_indirect_dma semaphore(%arg13 : memref<!tpu.dma_semaphore, #tpu.memory_space<semaphore_mem>>) src(%dma_wait3A_81 : memref<10000x128xf32, #tpu.memory_space<hbm>>) dst(%arg10 : memref<125x128xf32, #tpu.memory_space<vmem>>)
      %add3A_82 = arith.constant 1 : i32
      %add3A_83 = arith.addi %mul3A_50, %add3A_82 : i32
      "tpu.region"() ({
        %run_scoped3A_84 = tpu.sem_alloc : memref<!tpu.dma_semaphore, #tpu.memory_space<semaphore_mem>>
        %dma_start3A_85 = arith.constant 0 : i32
        %dma_start3A_86 = tpu.memref_slice %arg8[%add3A_83, %dma_start3A_85] : memref<40x125xi32, #tpu.memory_space<vmem>> -> memref<1x125xi32, #tpu.memory_space<vmem>>
        %dma_start3A_87 = tpu.memref_squeeze %dma_start3A_86 : memref<1x125xi32, #tpu.memory_space<vmem>> -> memref<125xi32, #tpu.memory_space<vmem>>
        %dma_start3A_88 = arith.constant 0 : i32
        %dma_start3A_89 = arith.constant 0 : i32
        %dma_start3A_90 = tpu.memref_slice %arg11[%dma_start3A_88, %dma_start3A_89] : memref<10240x128xf32, #tpu.memory_space<vmem_shared>> -> memref<10240x128xf32, #tpu.memory_space<vmem_shared>>
        tpu.enqueue_indirect_dma source(%arg10 : memref<125x128xf32, #tpu.memory_space<vmem>>) target(%dma_start3A_90 : memref<10240x128xf32, #tpu.memory_space<vmem_shared>>) offsets(%dma_start3A_87 : memref<125xi32, #tpu.memory_space<vmem>>) semaphore(%run_scoped3A_84 : memref<!tpu.dma_semaphore, #tpu.memory_space<semaphore_mem>>) {add = true}
        %dma_wait3A_91 = arith.constant 0 : i32
        %dma_wait3A_92 = tpu.memref_slice %arg8[%add3A_83, %dma_wait3A_91] : memref<40x125xi32, #tpu.memory_space<vmem>> -> memref<1x125xi32, #tpu.memory_space<vmem>>
        %dma_wait3A_93 = tpu.memref_squeeze %dma_wait3A_92 : memref<1x125xi32, #tpu.memory_space<vmem>> -> memref<125xi32, #tpu.memory_space<vmem>>
        %dma_wait3A_94 = arith.constant 0 : i32
        %dma_wait3A_95 = arith.constant 0 : i32
        %dma_wait3A_96 = tpu.memref_slice %arg11[%dma_wait3A_94, %dma_wait3A_95] : memref<10240x128xf32, #tpu.memory_space<vmem_shared>> -> memref<10240x128xf32, #tpu.memory_space<vmem_shared>>
        tpu.wait_indirect_dma semaphore(%run_scoped3A_84 : memref<!tpu.dma_semaphore, #tpu.memory_space<semaphore_mem>>) src(%arg10 : memref<125x128xf32, #tpu.memory_space<vmem>>) dst(%dma_wait3A_96 : memref<10240x128xf32, #tpu.memory_space<vmem_shared>>)
        tpu.yield
      }) : () -> ()
    }
    %scan3A_14 = arith.constant 20 : i32
    %dma_wait3A = arith.constant 39 : i32
    %dma_wait3A_15 = arith.constant 0 : i32
    %dma_wait3A_16 = tpu.memref_slice %arg7[%dma_wait3A, %dma_wait3A_15] : memref<40x125xi32, #tpu.memory_space<vmem>> -> memref<1x125xi32, #tpu.memory_space<vmem>>
    %dma_wait3A_17 = tpu.memref_squeeze %dma_wait3A_16 : memref<1x125xi32, #tpu.memory_space<vmem>> -> memref<125xi32, #tpu.memory_space<vmem>>
    %dma_wait3A_18 = arith.constant 0 : i32
    %dma_wait3A_19 = arith.constant 0 : i32
    %dma_wait3A_20 = tpu.memref_slice %arg4[%dma_wait3A_18, %dma_wait3A_19] : memref<10000x128xf32, #tpu.memory_space<hbm>> -> memref<10000x128xf32, #tpu.memory_space<hbm>>
    tpu.wait_indirect_dma semaphore(%arg12 : memref<!tpu.dma_semaphore, #tpu.memory_space<semaphore_mem>>) src(%dma_wait3A_20 : memref<10000x128xf32, #tpu.memory_space<hbm>>) dst(%arg9 : memref<125x128xf32, #tpu.memory_space<vmem>>)
    %run_scoped3A_21 = arith.constant 1 : i32
    "tpu.region"() ({
      %run_scoped3A_48 = tpu.sem_alloc : memref<!tpu.dma_semaphore, #tpu.memory_space<semaphore_mem>>
      %dma_start3A_49 = arith.constant 0 : i32
      %dma_start3A_50 = arith.constant 0 : i32
      %dma_start3A_51 = tpu.memref_slice %arg2[%add3A, %run_scoped3A_21, %dma_start3A_49, %dma_start3A_50] : memref<32x2x40x125xi32, #tpu.memory_space<hbm>> -> memref<1x1x40x125xi32, #tpu.memory_space<hbm>>
      %dma_start3A_52 = tpu.memref_squeeze %dma_start3A_51 : memref<1x1x40x125xi32, #tpu.memory_space<hbm>> -> memref<40x125xi32, #tpu.memory_space<hbm>>
      %dma_start3A_53 = arith.constant 0 : i32
      %dma_start3A_54 = arith.constant 0 : i32
      %dma_start3A_55 = tpu.memref_slice %arg2[%add3A, %run_scoped3A_21, %dma_start3A_53, %dma_start3A_54] : memref<32x2x40x125xi32, #tpu.memory_space<hbm>> -> memref<1x1x40x125xi32, #tpu.memory_space<hbm>>
      %dma_start3A_56 = tpu.memref_squeeze %dma_start3A_55 : memref<1x1x40x125xi32, #tpu.memory_space<hbm>> -> memref<40x125xi32, #tpu.memory_space<hbm>>
      tpu.enqueue_dma source(%dma_start3A_56 : memref<40x125xi32, #tpu.memory_space<hbm>>) target(%arg7 : memref<40x125xi32, #tpu.memory_space<vmem>>) target_semaphore(%run_scoped3A_48 : memref<!tpu.dma_semaphore, #tpu.memory_space<semaphore_mem>>)
      %dma_wait3A_57 = arith.constant 0 : i32
      %dma_wait3A_58 = arith.constant 0 : i32
      %dma_wait3A_59 = tpu.memref_slice %arg2[%add3A, %run_scoped3A_21, %dma_wait3A_57, %dma_wait3A_58] : memref<32x2x40x125xi32, #tpu.memory_space<hbm>> -> memref<1x1x40x125xi32, #tpu.memory_space<hbm>>
      %dma_wait3A_60 = tpu.memref_squeeze %dma_wait3A_59 : memref<1x1x40x125xi32, #tpu.memory_space<hbm>> -> memref<40x125xi32, #tpu.memory_space<hbm>>
      %dma_wait3A_61 = arith.constant 0 : i32
      %dma_wait3A_62 = arith.constant 0 : i32
      %dma_wait3A_63 = tpu.memref_slice %arg2[%add3A, %run_scoped3A_21, %dma_wait3A_61, %dma_wait3A_62] : memref<32x2x40x125xi32, #tpu.memory_space<hbm>> -> memref<1x1x40x125xi32, #tpu.memory_space<hbm>>
      %dma_wait3A_64 = tpu.memref_squeeze %dma_wait3A_63 : memref<1x1x40x125xi32, #tpu.memory_space<hbm>> -> memref<40x125xi32, #tpu.memory_space<hbm>>
      tpu.wait_dma2 semaphore(%run_scoped3A_48 : memref<!tpu.dma_semaphore, #tpu.memory_space<semaphore_mem>>) src(%dma_wait3A_64 : memref<40x125xi32, #tpu.memory_space<hbm>>) dst(%arg7 : memref<40x125xi32, #tpu.memory_space<vmem>>)
      tpu.yield
    }) : () -> ()
    %run_scoped3A_22 = arith.constant 1 : i32
    "tpu.region"() ({
      %run_scoped3A_48 = tpu.sem_alloc : memref<!tpu.dma_semaphore, #tpu.memory_space<semaphore_mem>>
      %dma_start3A_49 = arith.constant 0 : i32
      %dma_start3A_50 = arith.constant 0 : i32
      %dma_start3A_51 = tpu.memref_slice %arg3[%add3A, %run_scoped3A_22, %dma_start3A_49, %dma_start3A_50] : memref<32x2x40x125xi32, #tpu.memory_space<hbm>> -> memref<1x1x40x125xi32, #tpu.memory_space<hbm>>
      %dma_start3A_52 = tpu.memref_squeeze %dma_start3A_51 : memref<1x1x40x125xi32, #tpu.memory_space<hbm>> -> memref<40x125xi32, #tpu.memory_space<hbm>>
      %dma_start3A_53 = arith.constant 0 : i32
      %dma_start3A_54 = arith.constant 0 : i32
      %dma_start3A_55 = tpu.memref_slice %arg3[%add3A, %run_scoped3A_22, %dma_start3A_53, %dma_start3A_54] : memref<32x2x40x125xi32, #tpu.memory_space<hbm>> -> memref<1x1x40x125xi32, #tpu.memory_space<hbm>>
      %dma_start3A_56 = tpu.memref_squeeze %dma_start3A_55 : memref<1x1x40x125xi32, #tpu.memory_space<hbm>> -> memref<40x125xi32, #tpu.memory_space<hbm>>
      tpu.enqueue_dma source(%dma_start3A_56 : memref<40x125xi32, #tpu.memory_space<hbm>>) target(%arg8 : memref<40x125xi32, #tpu.memory_space<vmem>>) target_semaphore(%run_scoped3A_48 : memref<!tpu.dma_semaphore, #tpu.memory_space<semaphore_mem>>)
      %dma_wait3A_57 = arith.constant 0 : i32
      %dma_wait3A_58 = arith.constant 0 : i32
      %dma_wait3A_59 = tpu.memref_slice %arg3[%add3A, %run_scoped3A_22, %dma_wait3A_57, %dma_wait3A_58] : memref<32x2x40x125xi32, #tpu.memory_space<hbm>> -> memref<1x1x40x125xi32, #tpu.memory_space<hbm>>
      %dma_wait3A_60 = tpu.memref_squeeze %dma_wait3A_59 : memref<1x1x40x125xi32, #tpu.memory_space<hbm>> -> memref<40x125xi32, #tpu.memory_space<hbm>>
      %dma_wait3A_61 = arith.constant 0 : i32
      %dma_wait3A_62 = arith.constant 0 : i32
      %dma_wait3A_63 = tpu.memref_slice %arg3[%add3A, %run_scoped3A_22, %dma_wait3A_61, %dma_wait3A_62] : memref<32x2x40x125xi32, #tpu.memory_space<hbm>> -> memref<1x1x40x125xi32, #tpu.memory_space<hbm>>
      %dma_wait3A_64 = tpu.memref_squeeze %dma_wait3A_63 : memref<1x1x40x125xi32, #tpu.memory_space<hbm>> -> memref<40x125xi32, #tpu.memory_space<hbm>>
      tpu.wait_dma2 semaphore(%run_scoped3A_48 : memref<!tpu.dma_semaphore, #tpu.memory_space<semaphore_mem>>) src(%dma_wait3A_64 : memref<40x125xi32, #tpu.memory_space<hbm>>) dst(%arg8 : memref<40x125xi32, #tpu.memory_space<vmem>>)
      tpu.yield
    }) : () -> ()
    %dma_start3A_23 = arith.constant 0 : i32
    %dma_start3A_24 = arith.constant 0 : i32
    %dma_start3A_25 = tpu.memref_slice %arg7[%dma_start3A_23, %dma_start3A_24] : memref<40x125xi32, #tpu.memory_space<vmem>> -> memref<1x125xi32, #tpu.memory_space<vmem>>
    %dma_start3A_26 = tpu.memref_squeeze %dma_start3A_25 : memref<1x125xi32, #tpu.memory_space<vmem>> -> memref<125xi32, #tpu.memory_space<vmem>>
    %dma_start3A_27 = arith.constant 0 : i32
    %dma_start3A_28 = arith.constant 0 : i32
    %dma_start3A_29 = tpu.memref_slice %arg4[%dma_start3A_27, %dma_start3A_28] : memref<10000x128xf32, #tpu.memory_space<hbm>> -> memref<10000x128xf32, #tpu.memory_space<hbm>>
    tpu.enqueue_indirect_dma source(%dma_start3A_29 : memref<10000x128xf32, #tpu.memory_space<hbm>>) target(%arg9 : memref<125x128xf32, #tpu.memory_space<vmem>>) offsets(%dma_start3A_26 : memref<125xi32, #tpu.memory_space<vmem>>) semaphore(%arg12 : memref<!tpu.dma_semaphore, #tpu.memory_space<semaphore_mem>>)
    %scan3A_30 = arith.constant 0 : i32
    %scan3A_31 = arith.constant 0 : i32
    %scan3A_32 = arith.constant 20 : i32
    %scan3A_33 = arith.addi %scan3A_31, %scan3A_32 : i32
    %scan3A_34 = arith.constant 1 : i32
    scf.for %scan3A_48 = %scan3A_31 to %scan3A_33 step %scan3A_34  : i32 {
      %mul3A_49 = arith.constant 2 : i32
      %mul3A_50 = arith.muli %mul3A_49, %scan3A_48 : i32
      %add3A_51 = arith.constant 1 : i32
      %add3A_52 = arith.addi %mul3A_50, %add3A_51 : i32
      %dma_start3A_53 = arith.constant 0 : i32
      %dma_start3A_54 = tpu.memref_slice %arg7[%add3A_52, %dma_start3A_53] : memref<40x125xi32, #tpu.memory_space<vmem>> -> memref<1x125xi32, #tpu.memory_space<vmem>>
      %dma_start3A_55 = tpu.memref_squeeze %dma_start3A_54 : memref<1x125xi32, #tpu.memory_space<vmem>> -> memref<125xi32, #tpu.memory_space<vmem>>
      %dma_start3A_56 = arith.constant 0 : i32
      %dma_start3A_57 = arith.constant 0 : i32
      %dma_start3A_58 = tpu.memref_slice %arg4[%dma_start3A_56, %dma_start3A_57] : memref<10000x128xf32, #tpu.memory_space<hbm>> -> memref<10000x128xf32, #tpu.memory_space<hbm>>
      tpu.enqueue_indirect_dma source(%dma_start3A_58 : memref<10000x128xf32, #tpu.memory_space<hbm>>) target(%arg10 : memref<125x128xf32, #tpu.memory_space<vmem>>) offsets(%dma_start3A_55 : memref<125xi32, #tpu.memory_space<vmem>>) semaphore(%arg13 : memref<!tpu.dma_semaphore, #tpu.memory_space<semaphore_mem>>)
      %dma_wait3A_59 = arith.constant 0 : i32
      %dma_wait3A_60 = tpu.memref_slice %arg7[%mul3A_50, %dma_wait3A_59] : memref<40x125xi32, #tpu.memory_space<vmem>> -> memref<1x125xi32, #tpu.memory_space<vmem>>
      %dma_wait3A_61 = tpu.memref_squeeze %dma_wait3A_60 : memref<1x125xi32, #tpu.memory_space<vmem>> -> memref<125xi32, #tpu.memory_space<vmem>>
      %dma_wait3A_62 = arith.constant 0 : i32
      %dma_wait3A_63 = arith.constant 0 : i32
      %dma_wait3A_64 = tpu.memref_slice %arg4[%dma_wait3A_62, %dma_wait3A_63] : memref<10000x128xf32, #tpu.memory_space<hbm>> -> memref<10000x128xf32, #tpu.memory_space<hbm>>
      tpu.wait_indirect_dma semaphore(%arg12 : memref<!tpu.dma_semaphore, #tpu.memory_space<semaphore_mem>>) src(%dma_wait3A_64 : memref<10000x128xf32, #tpu.memory_space<hbm>>) dst(%arg9 : memref<125x128xf32, #tpu.memory_space<vmem>>)
      "tpu.region"() ({
        %run_scoped3A_84 = tpu.sem_alloc : memref<!tpu.dma_semaphore, #tpu.memory_space<semaphore_mem>>
        %dma_start3A_85 = arith.constant 0 : i32
        %dma_start3A_86 = tpu.memref_slice %arg8[%mul3A_50, %dma_start3A_85] : memref<40x125xi32, #tpu.memory_space<vmem>> -> memref<1x125xi32, #tpu.memory_space<vmem>>
        %dma_start3A_87 = tpu.memref_squeeze %dma_start3A_86 : memref<1x125xi32, #tpu.memory_space<vmem>> -> memref<125xi32, #tpu.memory_space<vmem>>
        %dma_start3A_88 = arith.constant 0 : i32
        %dma_start3A_89 = arith.constant 0 : i32
        %dma_start3A_90 = tpu.memref_slice %arg11[%dma_start3A_88, %dma_start3A_89] : memref<10240x128xf32, #tpu.memory_space<vmem_shared>> -> memref<10240x128xf32, #tpu.memory_space<vmem_shared>>
        tpu.enqueue_indirect_dma source(%arg9 : memref<125x128xf32, #tpu.memory_space<vmem>>) target(%dma_start3A_90 : memref<10240x128xf32, #tpu.memory_space<vmem_shared>>) offsets(%dma_start3A_87 : memref<125xi32, #tpu.memory_space<vmem>>) semaphore(%run_scoped3A_84 : memref<!tpu.dma_semaphore, #tpu.memory_space<semaphore_mem>>) {add = true}
        %dma_wait3A_91 = arith.constant 0 : i32
        %dma_wait3A_92 = tpu.memref_slice %arg8[%mul3A_50, %dma_wait3A_91] : memref<40x125xi32, #tpu.memory_space<vmem>> -> memref<1x125xi32, #tpu.memory_space<vmem>>
        %dma_wait3A_93 = tpu.memref_squeeze %dma_wait3A_92 : memref<1x125xi32, #tpu.memory_space<vmem>> -> memref<125xi32, #tpu.memory_space<vmem>>
        %dma_wait3A_94 = arith.constant 0 : i32
        %dma_wait3A_95 = arith.constant 0 : i32
        %dma_wait3A_96 = tpu.memref_slice %arg11[%dma_wait3A_94, %dma_wait3A_95] : memref<10240x128xf32, #tpu.memory_space<vmem_shared>> -> memref<10240x128xf32, #tpu.memory_space<vmem_shared>>
        tpu.wait_indirect_dma semaphore(%run_scoped3A_84 : memref<!tpu.dma_semaphore, #tpu.memory_space<semaphore_mem>>) src(%arg9 : memref<125x128xf32, #tpu.memory_space<vmem>>) dst(%dma_wait3A_96 : memref<10240x128xf32, #tpu.memory_space<vmem_shared>>)
        tpu.yield
      }) : () -> ()
      %add3A_65 = arith.constant 2 : i32
      %add3A_66 = arith.addi %mul3A_50, %add3A_65 : i32
      %min3A = arith.constant 39 : i32
      %min3A_67 = arith.minsi %add3A_66, %min3A : i32
      %dma_start3A_68 = arith.constant 0 : i32
      %dma_start3A_69 = tpu.memref_slice %arg7[%min3A_67, %dma_start3A_68] : memref<40x125xi32, #tpu.memory_space<vmem>> -> memref<1x125xi32, #tpu.memory_space<vmem>>
      %dma_start3A_70 = tpu.memref_squeeze %dma_start3A_69 : memref<1x125xi32, #tpu.memory_space<vmem>> -> memref<125xi32, #tpu.memory_space<vmem>>
      %dma_start3A_71 = arith.constant 0 : i32
      %dma_start3A_72 = arith.constant 0 : i32
      %dma_start3A_73 = tpu.memref_slice %arg4[%dma_start3A_71, %dma_start3A_72] : memref<10000x128xf32, #tpu.memory_space<hbm>> -> memref<10000x128xf32, #tpu.memory_space<hbm>>
      tpu.enqueue_indirect_dma source(%dma_start3A_73 : memref<10000x128xf32, #tpu.memory_space<hbm>>) target(%arg9 : memref<125x128xf32, #tpu.memory_space<vmem>>) offsets(%dma_start3A_70 : memref<125xi32, #tpu.memory_space<vmem>>) semaphore(%arg12 : memref<!tpu.dma_semaphore, #tpu.memory_space<semaphore_mem>>)
      %add3A_74 = arith.constant 1 : i32
      %add3A_75 = arith.addi %mul3A_50, %add3A_74 : i32
      %dma_wait3A_76 = arith.constant 0 : i32
      %dma_wait3A_77 = tpu.memref_slice %arg7[%add3A_75, %dma_wait3A_76] : memref<40x125xi32, #tpu.memory_space<vmem>> -> memref<1x125xi32, #tpu.memory_space<vmem>>
      %dma_wait3A_78 = tpu.memref_squeeze %dma_wait3A_77 : memref<1x125xi32, #tpu.memory_space<vmem>> -> memref<125xi32, #tpu.memory_space<vmem>>
      %dma_wait3A_79 = arith.constant 0 : i32
      %dma_wait3A_80 = arith.constant 0 : i32
      %dma_wait3A_81 = tpu.memref_slice %arg4[%dma_wait3A_79, %dma_wait3A_80] : memref<10000x128xf32, #tpu.memory_space<hbm>> -> memref<10000x128xf32, #tpu.memory_space<hbm>>
      tpu.wait_indirect_dma semaphore(%arg13 : memref<!tpu.dma_semaphore, #tpu.memory_space<semaphore_mem>>) src(%dma_wait3A_81 : memref<10000x128xf32, #tpu.memory_space<hbm>>) dst(%arg10 : memref<125x128xf32, #tpu.memory_space<vmem>>)
      %add3A_82 = arith.constant 1 : i32
      %add3A_83 = arith.addi %mul3A_50, %add3A_82 : i32
      "tpu.region"() ({
        %run_scoped3A_84 = tpu.sem_alloc : memref<!tpu.dma_semaphore, #tpu.memory_space<semaphore_mem>>
        %dma_start3A_85 = arith.constant 0 : i32
        %dma_start3A_86 = tpu.memref_slice %arg8[%add3A_83, %dma_start3A_85] : memref<40x125xi32, #tpu.memory_space<vmem>> -> memref<1x125xi32, #tpu.memory_space<vmem>>
        %dma_start3A_87 = tpu.memref_squeeze %dma_start3A_86 : memref<1x125xi32, #tpu.memory_space<vmem>> -> memref<125xi32, #tpu.memory_space<vmem>>
        %dma_start3A_88 = arith.constant 0 : i32
        %dma_start3A_89 = arith.constant 0 : i32
        %dma_start3A_90 = tpu.memref_slice %arg11[%dma_start3A_88, %dma_start3A_89] : memref<10240x128xf32, #tpu.memory_space<vmem_shared>> -> memref<10240x128xf32, #tpu.memory_space<vmem_shared>>
        tpu.enqueue_indirect_dma source(%arg10 : memref<125x128xf32, #tpu.memory_space<vmem>>) target(%dma_start3A_90 : memref<10240x128xf32, #tpu.memory_space<vmem_shared>>) offsets(%dma_start3A_87 : memref<125xi32, #tpu.memory_space<vmem>>) semaphore(%run_scoped3A_84 : memref<!tpu.dma_semaphore, #tpu.memory_space<semaphore_mem>>) {add = true}
        %dma_wait3A_91 = arith.constant 0 : i32
        %dma_wait3A_92 = tpu.memref_slice %arg8[%add3A_83, %dma_wait3A_91] : memref<40x125xi32, #tpu.memory_space<vmem>> -> memref<1x125xi32, #tpu.memory_space<vmem>>
        %dma_wait3A_93 = tpu.memref_squeeze %dma_wait3A_92 : memref<1x125xi32, #tpu.memory_space<vmem>> -> memref<125xi32, #tpu.memory_space<vmem>>
        %dma_wait3A_94 = arith.constant 0 : i32
        %dma_wait3A_95 = arith.constant 0 : i32
        %dma_wait3A_96 = tpu.memref_slice %arg11[%dma_wait3A_94, %dma_wait3A_95] : memref<10240x128xf32, #tpu.memory_space<vmem_shared>> -> memref<10240x128xf32, #tpu.memory_space<vmem_shared>>
        tpu.wait_indirect_dma semaphore(%run_scoped3A_84 : memref<!tpu.dma_semaphore, #tpu.memory_space<semaphore_mem>>) src(%arg10 : memref<125x128xf32, #tpu.memory_space<vmem>>) dst(%dma_wait3A_96 : memref<10240x128xf32, #tpu.memory_space<vmem_shared>>)
        tpu.yield
      }) : () -> ()
    }
    %scan3A_35 = arith.constant 20 : i32
    %dma_wait3A_36 = arith.constant 39 : i32
    %dma_wait3A_37 = arith.constant 0 : i32
    %dma_wait3A_38 = tpu.memref_slice %arg7[%dma_wait3A_36, %dma_wait3A_37] : memref<40x125xi32, #tpu.memory_space<vmem>> -> memref<1x125xi32, #tpu.memory_space<vmem>>
    %dma_wait3A_39 = tpu.memref_squeeze %dma_wait3A_38 : memref<1x125xi32, #tpu.memory_space<vmem>> -> memref<125xi32, #tpu.memory_space<vmem>>
    %dma_wait3A_40 = arith.constant 0 : i32
    %dma_wait3A_41 = arith.constant 0 : i32
    %dma_wait3A_42 = tpu.memref_slice %arg4[%dma_wait3A_40, %dma_wait3A_41] : memref<10000x128xf32, #tpu.memory_space<hbm>> -> memref<10000x128xf32, #tpu.memory_space<hbm>>
    tpu.wait_indirect_dma semaphore(%arg12 : memref<!tpu.dma_semaphore, #tpu.memory_space<semaphore_mem>>) src(%dma_wait3A_42 : memref<10000x128xf32, #tpu.memory_space<hbm>>) dst(%arg9 : memref<125x128xf32, #tpu.memory_space<vmem>>)
    %barrier3A_43 = arith.constant 0 : index
    tpu.barrier barrier_id(%barrier3A_43)
    %mul3A_44 = arith.constant 640 : i32
    %mul3A_45 = arith.muli %arg1, %mul3A_44 : i32
    %mul3A_46 = arith.constant 640 : i32
    %mul3A_47 = arith.muli %arg1, %mul3A_46 : i32
    "tpu.region"() ({
      %run_scoped3A_48 = tpu.sem_alloc : memref<!tpu.dma_semaphore, #tpu.memory_space<semaphore_mem>>
      %dma_start3A_49 = arith.constant 0 : i32
      %dma_start3A_50 = tpu.memref_slice %arg6[%arg0, %mul3A_47, %dma_start3A_49] : memref<2x10240x128xf32, #tpu.memory_space<hbm>> -> memref<1x640x128xf32, #tpu.memory_space<hbm>>
      %dma_start3A_51 = tpu.memref_squeeze %dma_start3A_50 : memref<1x640x128xf32, #tpu.memory_space<hbm>> -> memref<640x128xf32, #tpu.memory_space<hbm>>
      %dma_start3A_52 = arith.constant 0 : i32
      %dma_start3A_53 = tpu.memref_slice %arg11[%mul3A_45, %dma_start3A_52] : memref<10240x128xf32, #tpu.memory_space<vmem_shared>> -> memref<640x128xf32, #tpu.memory_space<vmem_shared>>
      tpu.enqueue_dma source(%dma_start3A_53 : memref<640x128xf32, #tpu.memory_space<vmem_shared>>) target(%dma_start3A_51 : memref<640x128xf32, #tpu.memory_space<hbm>>) target_semaphore(%run_scoped3A_48 : memref<!tpu.dma_semaphore, #tpu.memory_space<semaphore_mem>>)
      %dma_wait3A_54 = arith.constant 0 : i32
      %dma_wait3A_55 = tpu.memref_slice %arg6[%arg0, %mul3A_47, %dma_wait3A_54] : memref<2x10240x128xf32, #tpu.memory_space<hbm>> -> memref<1x640x128xf32, #tpu.memory_space<hbm>>
      %dma_wait3A_56 = tpu.memref_squeeze %dma_wait3A_55 : memref<1x640x128xf32, #tpu.memory_space<hbm>> -> memref<640x128xf32, #tpu.memory_space<hbm>>
      %dma_wait3A_57 = arith.constant 0 : i32
      %dma_wait3A_58 = tpu.memref_slice %arg11[%mul3A_45, %dma_wait3A_57] : memref<10240x128xf32, #tpu.memory_space<vmem_shared>> -> memref<640x128xf32, #tpu.memory_space<vmem_shared>>
      tpu.wait_dma2 semaphore(%run_scoped3A_48 : memref<!tpu.dma_semaphore, #tpu.memory_space<semaphore_mem>>) src(%dma_wait3A_58 : memref<640x128xf32, #tpu.memory_space<vmem_shared>>) dst(%dma_wait3A_56 : memref<640x128xf32, #tpu.memory_space<hbm>>)
      tpu.yield
    }) : () -> ()
    return
  }
}

#map = affine_map<(d0, d1) -> (0, 0, 0, 0)>
#map1 = affine_map<(d0, d1) -> (0, 0)>
#map2 = affine_map<(d0, d1) -> (0, 0, 0)>
module attributes {stable_mosaic.version = 14 : i64} {
  func.func @_sc_hist(%arg0: i32, %arg1: i32, %arg2: memref<32x2x40x125xi32, #tpu.memory_space<hbm>>, %arg3: memref<125x128xf32, #tpu.memory_space<hbm>>, %arg4: memref<640x128xf32, #tpu.memory_space<hbm>>, %arg5: memref<2x10240x128xf32, #tpu.memory_space<hbm>>, %arg6: memref<40x125xi32, #tpu.memory_space<vmem>>, %arg7: memref<125x128xf32, #tpu.memory_space<vmem>>, %arg8: memref<10240x128xf32, #tpu.memory_space<vmem_shared>>) attributes {dimension_semantics = [#tpu.dimension_semantics<core_parallel>, #tpu.dimension_semantics<subcore_parallel>], iteration_bounds = array<i64: 2, 16>, scalar_prefetch = 0 : i64, scratch_operands = 3 : i64, tpu.core_type = #tpu.core_type<sc_vector_subcore>, window_params = [{transform_indices = #map}, {transform_indices = #map1}, {transform_indices = #map1}, {transform_indices = #map2}]} {
    %mul3A = arith.constant 16 : i32
    %mul3A_0 = arith.muli %arg0, %mul3A : i32
    %add3A = arith.addi %mul3A_0, %arg1 : i32
    %mul3A_1 = arith.constant 640 : i32
    %mul3A_2 = arith.muli %arg1, %mul3A_1 : i32
    "tpu.region"() ({
      %run_scoped3A_20 = tpu.sem_alloc : memref<!tpu.dma_semaphore, #tpu.memory_space<semaphore_mem>>
      %dma_start3A = arith.constant 0 : i32
      %dma_start3A_21 = tpu.memref_slice %arg8[%mul3A_2, %dma_start3A] : memref<10240x128xf32, #tpu.memory_space<vmem_shared>> -> memref<640x128xf32, #tpu.memory_space<vmem_shared>>
      tpu.enqueue_dma source(%arg4 : memref<640x128xf32, #tpu.memory_space<hbm>>) target(%dma_start3A_21 : memref<640x128xf32, #tpu.memory_space<vmem_shared>>) target_semaphore(%run_scoped3A_20 : memref<!tpu.dma_semaphore, #tpu.memory_space<semaphore_mem>>)
      %dma_wait3A = arith.constant 0 : i32
      %dma_wait3A_22 = tpu.memref_slice %arg8[%mul3A_2, %dma_wait3A] : memref<10240x128xf32, #tpu.memory_space<vmem_shared>> -> memref<640x128xf32, #tpu.memory_space<vmem_shared>>
      tpu.wait_dma2 semaphore(%run_scoped3A_20 : memref<!tpu.dma_semaphore, #tpu.memory_space<semaphore_mem>>) src(%arg4 : memref<640x128xf32, #tpu.memory_space<hbm>>) dst(%dma_wait3A_22 : memref<640x128xf32, #tpu.memory_space<vmem_shared>>)
      tpu.yield
    }) : () -> ()
    "tpu.region"() ({
      %run_scoped3A_20 = tpu.sem_alloc : memref<!tpu.dma_semaphore, #tpu.memory_space<semaphore_mem>>
      tpu.enqueue_dma source(%arg3 : memref<125x128xf32, #tpu.memory_space<hbm>>) target(%arg7 : memref<125x128xf32, #tpu.memory_space<vmem>>) target_semaphore(%run_scoped3A_20 : memref<!tpu.dma_semaphore, #tpu.memory_space<semaphore_mem>>)
      tpu.wait_dma2 semaphore(%run_scoped3A_20 : memref<!tpu.dma_semaphore, #tpu.memory_space<semaphore_mem>>) src(%arg3 : memref<125x128xf32, #tpu.memory_space<hbm>>) dst(%arg7 : memref<125x128xf32, #tpu.memory_space<vmem>>)
      tpu.yield
    }) : () -> ()
    %barrier3A = arith.constant 0 : index
    tpu.barrier barrier_id(%barrier3A)
    %run_scoped3A = arith.constant 0 : i32
    "tpu.region"() ({
      %run_scoped3A_20 = tpu.sem_alloc : memref<!tpu.dma_semaphore, #tpu.memory_space<semaphore_mem>>
      %dma_start3A = arith.constant 0 : i32
      %dma_start3A_21 = arith.constant 0 : i32
      %dma_start3A_22 = tpu.memref_slice %arg2[%add3A, %run_scoped3A, %dma_start3A, %dma_start3A_21] : memref<32x2x40x125xi32, #tpu.memory_space<hbm>> -> memref<1x1x40x125xi32, #tpu.memory_space<hbm>>
      %dma_start3A_23 = tpu.memref_squeeze %dma_start3A_22 : memref<1x1x40x125xi32, #tpu.memory_space<hbm>> -> memref<40x125xi32, #tpu.memory_space<hbm>>
      %dma_start3A_24 = arith.constant 0 : i32
      %dma_start3A_25 = arith.constant 0 : i32
      %dma_start3A_26 = tpu.memref_slice %arg2[%add3A, %run_scoped3A, %dma_start3A_24, %dma_start3A_25] : memref<32x2x40x125xi32, #tpu.memory_space<hbm>> -> memref<1x1x40x125xi32, #tpu.memory_space<hbm>>
      %dma_start3A_27 = tpu.memref_squeeze %dma_start3A_26 : memref<1x1x40x125xi32, #tpu.memory_space<hbm>> -> memref<40x125xi32, #tpu.memory_space<hbm>>
      tpu.enqueue_dma source(%dma_start3A_27 : memref<40x125xi32, #tpu.memory_space<hbm>>) target(%arg6 : memref<40x125xi32, #tpu.memory_space<vmem>>) target_semaphore(%run_scoped3A_20 : memref<!tpu.dma_semaphore, #tpu.memory_space<semaphore_mem>>)
      %dma_wait3A = arith.constant 0 : i32
      %dma_wait3A_28 = arith.constant 0 : i32
      %dma_wait3A_29 = tpu.memref_slice %arg2[%add3A, %run_scoped3A, %dma_wait3A, %dma_wait3A_28] : memref<32x2x40x125xi32, #tpu.memory_space<hbm>> -> memref<1x1x40x125xi32, #tpu.memory_space<hbm>>
      %dma_wait3A_30 = tpu.memref_squeeze %dma_wait3A_29 : memref<1x1x40x125xi32, #tpu.memory_space<hbm>> -> memref<40x125xi32, #tpu.memory_space<hbm>>
      %dma_wait3A_31 = arith.constant 0 : i32
      %dma_wait3A_32 = arith.constant 0 : i32
      %dma_wait3A_33 = tpu.memref_slice %arg2[%add3A, %run_scoped3A, %dma_wait3A_31, %dma_wait3A_32] : memref<32x2x40x125xi32, #tpu.memory_space<hbm>> -> memref<1x1x40x125xi32, #tpu.memory_space<hbm>>
      %dma_wait3A_34 = tpu.memref_squeeze %dma_wait3A_33 : memref<1x1x40x125xi32, #tpu.memory_space<hbm>> -> memref<40x125xi32, #tpu.memory_space<hbm>>
      tpu.wait_dma2 semaphore(%run_scoped3A_20 : memref<!tpu.dma_semaphore, #tpu.memory_space<semaphore_mem>>) src(%dma_wait3A_34 : memref<40x125xi32, #tpu.memory_space<hbm>>) dst(%arg6 : memref<40x125xi32, #tpu.memory_space<vmem>>)
      tpu.yield
    }) : () -> ()
    %scan3A = arith.constant 0 : i32
    %scan3A_3 = arith.constant 0 : i32
    %scan3A_4 = arith.constant 40 : i32
    %scan3A_5 = arith.addi %scan3A_3, %scan3A_4 : i32
    %scan3A_6 = arith.constant 1 : i32
    scf.for %scan3A_20 = %scan3A_3 to %scan3A_5 step %scan3A_6  : i32 {
      "tpu.region"() ({
        %run_scoped3A_21 = tpu.sem_alloc : memref<!tpu.dma_semaphore, #tpu.memory_space<semaphore_mem>>
        %dma_start3A = arith.constant 0 : i32
        %dma_start3A_22 = tpu.memref_slice %arg6[%scan3A_20, %dma_start3A] : memref<40x125xi32, #tpu.memory_space<vmem>> -> memref<1x125xi32, #tpu.memory_space<vmem>>
        %dma_start3A_23 = tpu.memref_squeeze %dma_start3A_22 : memref<1x125xi32, #tpu.memory_space<vmem>> -> memref<125xi32, #tpu.memory_space<vmem>>
        %dma_start3A_24 = arith.constant 0 : i32
        %dma_start3A_25 = arith.constant 0 : i32
        %dma_start3A_26 = tpu.memref_slice %arg8[%dma_start3A_24, %dma_start3A_25] : memref<10240x128xf32, #tpu.memory_space<vmem_shared>> -> memref<10240x128xf32, #tpu.memory_space<vmem_shared>>
        tpu.enqueue_indirect_dma source(%arg7 : memref<125x128xf32, #tpu.memory_space<vmem>>) target(%dma_start3A_26 : memref<10240x128xf32, #tpu.memory_space<vmem_shared>>) offsets(%dma_start3A_23 : memref<125xi32, #tpu.memory_space<vmem>>) semaphore(%run_scoped3A_21 : memref<!tpu.dma_semaphore, #tpu.memory_space<semaphore_mem>>) {add = true}
        %dma_wait3A = arith.constant 0 : i32
        %dma_wait3A_27 = tpu.memref_slice %arg6[%scan3A_20, %dma_wait3A] : memref<40x125xi32, #tpu.memory_space<vmem>> -> memref<1x125xi32, #tpu.memory_space<vmem>>
        %dma_wait3A_28 = tpu.memref_squeeze %dma_wait3A_27 : memref<1x125xi32, #tpu.memory_space<vmem>> -> memref<125xi32, #tpu.memory_space<vmem>>
        %dma_wait3A_29 = arith.constant 0 : i32
        %dma_wait3A_30 = arith.constant 0 : i32
        %dma_wait3A_31 = tpu.memref_slice %arg8[%dma_wait3A_29, %dma_wait3A_30] : memref<10240x128xf32, #tpu.memory_space<vmem_shared>> -> memref<10240x128xf32, #tpu.memory_space<vmem_shared>>
        tpu.wait_indirect_dma semaphore(%run_scoped3A_21 : memref<!tpu.dma_semaphore, #tpu.memory_space<semaphore_mem>>) src(%arg7 : memref<125x128xf32, #tpu.memory_space<vmem>>) dst(%dma_wait3A_31 : memref<10240x128xf32, #tpu.memory_space<vmem_shared>>)
        tpu.yield
      }) : () -> ()
    }
    %scan3A_7 = arith.constant 40 : i32
    %run_scoped3A_8 = arith.constant 1 : i32
    "tpu.region"() ({
      %run_scoped3A_20 = tpu.sem_alloc : memref<!tpu.dma_semaphore, #tpu.memory_space<semaphore_mem>>
      %dma_start3A = arith.constant 0 : i32
      %dma_start3A_21 = arith.constant 0 : i32
      %dma_start3A_22 = tpu.memref_slice %arg2[%add3A, %run_scoped3A_8, %dma_start3A, %dma_start3A_21] : memref<32x2x40x125xi32, #tpu.memory_space<hbm>> -> memref<1x1x40x125xi32, #tpu.memory_space<hbm>>
      %dma_start3A_23 = tpu.memref_squeeze %dma_start3A_22 : memref<1x1x40x125xi32, #tpu.memory_space<hbm>> -> memref<40x125xi32, #tpu.memory_space<hbm>>
      %dma_start3A_24 = arith.constant 0 : i32
      %dma_start3A_25 = arith.constant 0 : i32
      %dma_start3A_26 = tpu.memref_slice %arg2[%add3A, %run_scoped3A_8, %dma_start3A_24, %dma_start3A_25] : memref<32x2x40x125xi32, #tpu.memory_space<hbm>> -> memref<1x1x40x125xi32, #tpu.memory_space<hbm>>
      %dma_start3A_27 = tpu.memref_squeeze %dma_start3A_26 : memref<1x1x40x125xi32, #tpu.memory_space<hbm>> -> memref<40x125xi32, #tpu.memory_space<hbm>>
      tpu.enqueue_dma source(%dma_start3A_27 : memref<40x125xi32, #tpu.memory_space<hbm>>) target(%arg6 : memref<40x125xi32, #tpu.memory_space<vmem>>) target_semaphore(%run_scoped3A_20 : memref<!tpu.dma_semaphore, #tpu.memory_space<semaphore_mem>>)
      %dma_wait3A = arith.constant 0 : i32
      %dma_wait3A_28 = arith.constant 0 : i32
      %dma_wait3A_29 = tpu.memref_slice %arg2[%add3A, %run_scoped3A_8, %dma_wait3A, %dma_wait3A_28] : memref<32x2x40x125xi32, #tpu.memory_space<hbm>> -> memref<1x1x40x125xi32, #tpu.memory_space<hbm>>
      %dma_wait3A_30 = tpu.memref_squeeze %dma_wait3A_29 : memref<1x1x40x125xi32, #tpu.memory_space<hbm>> -> memref<40x125xi32, #tpu.memory_space<hbm>>
      %dma_wait3A_31 = arith.constant 0 : i32
      %dma_wait3A_32 = arith.constant 0 : i32
      %dma_wait3A_33 = tpu.memref_slice %arg2[%add3A, %run_scoped3A_8, %dma_wait3A_31, %dma_wait3A_32] : memref<32x2x40x125xi32, #tpu.memory_space<hbm>> -> memref<1x1x40x125xi32, #tpu.memory_space<hbm>>
      %dma_wait3A_34 = tpu.memref_squeeze %dma_wait3A_33 : memref<1x1x40x125xi32, #tpu.memory_space<hbm>> -> memref<40x125xi32, #tpu.memory_space<hbm>>
      tpu.wait_dma2 semaphore(%run_scoped3A_20 : memref<!tpu.dma_semaphore, #tpu.memory_space<semaphore_mem>>) src(%dma_wait3A_34 : memref<40x125xi32, #tpu.memory_space<hbm>>) dst(%arg6 : memref<40x125xi32, #tpu.memory_space<vmem>>)
      tpu.yield
    }) : () -> ()
    %scan3A_9 = arith.constant 0 : i32
    %scan3A_10 = arith.constant 0 : i32
    %scan3A_11 = arith.constant 40 : i32
    %scan3A_12 = arith.addi %scan3A_10, %scan3A_11 : i32
    %scan3A_13 = arith.constant 1 : i32
    scf.for %scan3A_20 = %scan3A_10 to %scan3A_12 step %scan3A_13  : i32 {
      "tpu.region"() ({
        %run_scoped3A_21 = tpu.sem_alloc : memref<!tpu.dma_semaphore, #tpu.memory_space<semaphore_mem>>
        %dma_start3A = arith.constant 0 : i32
        %dma_start3A_22 = tpu.memref_slice %arg6[%scan3A_20, %dma_start3A] : memref<40x125xi32, #tpu.memory_space<vmem>> -> memref<1x125xi32, #tpu.memory_space<vmem>>
        %dma_start3A_23 = tpu.memref_squeeze %dma_start3A_22 : memref<1x125xi32, #tpu.memory_space<vmem>> -> memref<125xi32, #tpu.memory_space<vmem>>
        %dma_start3A_24 = arith.constant 0 : i32
        %dma_start3A_25 = arith.constant 0 : i32
        %dma_start3A_26 = tpu.memref_slice %arg8[%dma_start3A_24, %dma_start3A_25] : memref<10240x128xf32, #tpu.memory_space<vmem_shared>> -> memref<10240x128xf32, #tpu.memory_space<vmem_shared>>
        tpu.enqueue_indirect_dma source(%arg7 : memref<125x128xf32, #tpu.memory_space<vmem>>) target(%dma_start3A_26 : memref<10240x128xf32, #tpu.memory_space<vmem_shared>>) offsets(%dma_start3A_23 : memref<125xi32, #tpu.memory_space<vmem>>) semaphore(%run_scoped3A_21 : memref<!tpu.dma_semaphore, #tpu.memory_space<semaphore_mem>>) {add = true}
        %dma_wait3A = arith.constant 0 : i32
        %dma_wait3A_27 = tpu.memref_slice %arg6[%scan3A_20, %dma_wait3A] : memref<40x125xi32, #tpu.memory_space<vmem>> -> memref<1x125xi32, #tpu.memory_space<vmem>>
        %dma_wait3A_28 = tpu.memref_squeeze %dma_wait3A_27 : memref<1x125xi32, #tpu.memory_space<vmem>> -> memref<125xi32, #tpu.memory_space<vmem>>
        %dma_wait3A_29 = arith.constant 0 : i32
        %dma_wait3A_30 = arith.constant 0 : i32
        %dma_wait3A_31 = tpu.memref_slice %arg8[%dma_wait3A_29, %dma_wait3A_30] : memref<10240x128xf32, #tpu.memory_space<vmem_shared>> -> memref<10240x128xf32, #tpu.memory_space<vmem_shared>>
        tpu.wait_indirect_dma semaphore(%run_scoped3A_21 : memref<!tpu.dma_semaphore, #tpu.memory_space<semaphore_mem>>) src(%arg7 : memref<125x128xf32, #tpu.memory_space<vmem>>) dst(%dma_wait3A_31 : memref<10240x128xf32, #tpu.memory_space<vmem_shared>>)
        tpu.yield
      }) : () -> ()
    }
    %scan3A_14 = arith.constant 40 : i32
    %barrier3A_15 = arith.constant 0 : index
    tpu.barrier barrier_id(%barrier3A_15)
    %mul3A_16 = arith.constant 640 : i32
    %mul3A_17 = arith.muli %arg1, %mul3A_16 : i32
    %mul3A_18 = arith.constant 640 : i32
    %mul3A_19 = arith.muli %arg1, %mul3A_18 : i32
    "tpu.region"() ({
      %run_scoped3A_20 = tpu.sem_alloc : memref<!tpu.dma_semaphore, #tpu.memory_space<semaphore_mem>>
      %dma_start3A = arith.constant 0 : i32
      %dma_start3A_21 = tpu.memref_slice %arg5[%arg0, %mul3A_19, %dma_start3A] : memref<2x10240x128xf32, #tpu.memory_space<hbm>> -> memref<1x640x128xf32, #tpu.memory_space<hbm>>
      %dma_start3A_22 = tpu.memref_squeeze %dma_start3A_21 : memref<1x640x128xf32, #tpu.memory_space<hbm>> -> memref<640x128xf32, #tpu.memory_space<hbm>>
      %dma_start3A_23 = arith.constant 0 : i32
      %dma_start3A_24 = tpu.memref_slice %arg8[%mul3A_17, %dma_start3A_23] : memref<10240x128xf32, #tpu.memory_space<vmem_shared>> -> memref<640x128xf32, #tpu.memory_space<vmem_shared>>
      tpu.enqueue_dma source(%dma_start3A_24 : memref<640x128xf32, #tpu.memory_space<vmem_shared>>) target(%dma_start3A_22 : memref<640x128xf32, #tpu.memory_space<hbm>>) target_semaphore(%run_scoped3A_20 : memref<!tpu.dma_semaphore, #tpu.memory_space<semaphore_mem>>)
      %dma_wait3A = arith.constant 0 : i32
      %dma_wait3A_25 = tpu.memref_slice %arg5[%arg0, %mul3A_19, %dma_wait3A] : memref<2x10240x128xf32, #tpu.memory_space<hbm>> -> memref<1x640x128xf32, #tpu.memory_space<hbm>>
      %dma_wait3A_26 = tpu.memref_squeeze %dma_wait3A_25 : memref<1x640x128xf32, #tpu.memory_space<hbm>> -> memref<640x128xf32, #tpu.memory_space<hbm>>
      %dma_wait3A_27 = arith.constant 0 : i32
      %dma_wait3A_28 = tpu.memref_slice %arg8[%mul3A_17, %dma_wait3A_27] : memref<10240x128xf32, #tpu.memory_space<vmem_shared>> -> memref<640x128xf32, #tpu.memory_space<vmem_shared>>
      tpu.wait_dma2 semaphore(%run_scoped3A_20 : memref<!tpu.dma_semaphore, #tpu.memory_space<semaphore_mem>>) src(%dma_wait3A_28 : memref<640x128xf32, #tpu.memory_space<vmem_shared>>) dst(%dma_wait3A_26 : memref<640x128xf32, #tpu.memory_space<hbm>>)
      tpu.yield
    }) : () -> ()
    return
  }
}

#map = affine_map<(d0, d1) -> (0, 0, 0, 0)>
#map1 = affine_map<(d0, d1) -> (0, 0)>
#map2 = affine_map<(d0, d1) -> (0, 0, 0)>
module attributes {stable_mosaic.version = 14 : i64} {
  func.func @_sc_agg(%arg0: i32, %arg1: i32, %arg2: memref<32x2x40x125xi32, #tpu.memory_space<hbm>>, %arg3: memref<32x2x40x125xi32, #tpu.memory_space<hbm>>, %arg4: memref<10000x128xf32, #tpu.memory_space<hbm>>, %arg5: memref<640x128xf32, #tpu.memory_space<hbm>>, %arg6: memref<2x10240x128xf32, #tpu.memory_space<hbm>>, %arg7: memref<40x125xi32, #tpu.memory_space<vmem>>, %arg8: memref<40x125xi32, #tpu.memory_space<vmem>>, %arg9: memref<125x128xf32, #tpu.memory_space<vmem>>, %arg10: memref<125x128xf32, #tpu.memory_space<vmem>>, %arg11: memref<10240x128xf32, #tpu.memory_space<vmem_shared>>, %arg12: memref<!tpu.dma_semaphore, #tpu.memory_space<semaphore_mem>>, %arg13: memref<!tpu.dma_semaphore, #tpu.memory_space<semaphore_mem>>) attributes {dimension_semantics = [#tpu.dimension_semantics<core_parallel>, #tpu.dimension_semantics<subcore_parallel>], iteration_bounds = array<i64: 2, 16>, scalar_prefetch = 0 : i64, scratch_operands = 7 : i64, tpu.core_type = #tpu.core_type<sc_vector_subcore>, window_params = [{transform_indices = #map}, {transform_indices = #map}, {transform_indices = #map1}, {transform_indices = #map1}, {transform_indices = #map2}]} {
    %mul3A = arith.constant 16 : i32
    %mul3A_0 = arith.muli %arg0, %mul3A : i32
    %add3A = arith.addi %mul3A_0, %arg1 : i32
    %mul3A_1 = arith.constant 640 : i32
    %mul3A_2 = arith.muli %arg1, %mul3A_1 : i32
    "tpu.region"() ({
      %run_scoped3A_48 = tpu.sem_alloc : memref<!tpu.dma_semaphore, #tpu.memory_space<semaphore_mem>>
      %dma_start3A_49 = arith.constant 0 : i32
      %dma_start3A_50 = tpu.memref_slice %arg11[%mul3A_2, %dma_start3A_49] : memref<10240x128xf32, #tpu.memory_space<vmem_shared>> -> memref<640x128xf32, #tpu.memory_space<vmem_shared>>
      tpu.enqueue_dma source(%arg5 : memref<640x128xf32, #tpu.memory_space<hbm>>) target(%dma_start3A_50 : memref<640x128xf32, #tpu.memory_space<vmem_shared>>) target_semaphore(%run_scoped3A_48 : memref<!tpu.dma_semaphore, #tpu.memory_space<semaphore_mem>>)
      %dma_wait3A_51 = arith.constant 0 : i32
      %dma_wait3A_52 = tpu.memref_slice %arg11[%mul3A_2, %dma_wait3A_51] : memref<10240x128xf32, #tpu.memory_space<vmem_shared>> -> memref<640x128xf32, #tpu.memory_space<vmem_shared>>
      tpu.wait_dma2 semaphore(%run_scoped3A_48 : memref<!tpu.dma_semaphore, #tpu.memory_space<semaphore_mem>>) src(%arg5 : memref<640x128xf32, #tpu.memory_space<hbm>>) dst(%dma_wait3A_52 : memref<640x128xf32, #tpu.memory_space<vmem_shared>>)
      tpu.yield
    }) : () -> ()
    %barrier3A = arith.constant 0 : index
    tpu.barrier barrier_id(%barrier3A)
    %run_scoped3A = arith.constant 0 : i32
    "tpu.region"() ({
      %run_scoped3A_48 = tpu.sem_alloc : memref<!tpu.dma_semaphore, #tpu.memory_space<semaphore_mem>>
      %dma_start3A_49 = arith.constant 0 : i32
      %dma_start3A_50 = arith.constant 0 : i32
      %dma_start3A_51 = tpu.memref_slice %arg2[%add3A, %run_scoped3A, %dma_start3A_49, %dma_start3A_50] : memref<32x2x40x125xi32, #tpu.memory_space<hbm>> -> memref<1x1x40x125xi32, #tpu.memory_space<hbm>>
      %dma_start3A_52 = tpu.memref_squeeze %dma_start3A_51 : memref<1x1x40x125xi32, #tpu.memory_space<hbm>> -> memref<40x125xi32, #tpu.memory_space<hbm>>
      %dma_start3A_53 = arith.constant 0 : i32
      %dma_start3A_54 = arith.constant 0 : i32
      %dma_start3A_55 = tpu.memref_slice %arg2[%add3A, %run_scoped3A, %dma_start3A_53, %dma_start3A_54] : memref<32x2x40x125xi32, #tpu.memory_space<hbm>> -> memref<1x1x40x125xi32, #tpu.memory_space<hbm>>
      %dma_start3A_56 = tpu.memref_squeeze %dma_start3A_55 : memref<1x1x40x125xi32, #tpu.memory_space<hbm>> -> memref<40x125xi32, #tpu.memory_space<hbm>>
      tpu.enqueue_dma source(%dma_start3A_56 : memref<40x125xi32, #tpu.memory_space<hbm>>) target(%arg7 : memref<40x125xi32, #tpu.memory_space<vmem>>) target_semaphore(%run_scoped3A_48 : memref<!tpu.dma_semaphore, #tpu.memory_space<semaphore_mem>>)
      %dma_wait3A_57 = arith.constant 0 : i32
      %dma_wait3A_58 = arith.constant 0 : i32
      %dma_wait3A_59 = tpu.memref_slice %arg2[%add3A, %run_scoped3A, %dma_wait3A_57, %dma_wait3A_58] : memref<32x2x40x125xi32, #tpu.memory_space<hbm>> -> memref<1x1x40x125xi32, #tpu.memory_space<hbm>>
      %dma_wait3A_60 = tpu.memref_squeeze %dma_wait3A_59 : memref<1x1x40x125xi32, #tpu.memory_space<hbm>> -> memref<40x125xi32, #tpu.memory_space<hbm>>
      %dma_wait3A_61 = arith.constant 0 : i32
      %dma_wait3A_62 = arith.constant 0 : i32
      %dma_wait3A_63 = tpu.memref_slice %arg2[%add3A, %run_scoped3A, %dma_wait3A_61, %dma_wait3A_62] : memref<32x2x40x125xi32, #tpu.memory_space<hbm>> -> memref<1x1x40x125xi32, #tpu.memory_space<hbm>>
      %dma_wait3A_64 = tpu.memref_squeeze %dma_wait3A_63 : memref<1x1x40x125xi32, #tpu.memory_space<hbm>> -> memref<40x125xi32, #tpu.memory_space<hbm>>
      tpu.wait_dma2 semaphore(%run_scoped3A_48 : memref<!tpu.dma_semaphore, #tpu.memory_space<semaphore_mem>>) src(%dma_wait3A_64 : memref<40x125xi32, #tpu.memory_space<hbm>>) dst(%arg7 : memref<40x125xi32, #tpu.memory_space<vmem>>)
      tpu.yield
    }) : () -> ()
    %run_scoped3A_3 = arith.constant 0 : i32
    "tpu.region"() ({
      %run_scoped3A_48 = tpu.sem_alloc : memref<!tpu.dma_semaphore, #tpu.memory_space<semaphore_mem>>
      %dma_start3A_49 = arith.constant 0 : i32
      %dma_start3A_50 = arith.constant 0 : i32
      %dma_start3A_51 = tpu.memref_slice %arg3[%add3A, %run_scoped3A_3, %dma_start3A_49, %dma_start3A_50] : memref<32x2x40x125xi32, #tpu.memory_space<hbm>> -> memref<1x1x40x125xi32, #tpu.memory_space<hbm>>
      %dma_start3A_52 = tpu.memref_squeeze %dma_start3A_51 : memref<1x1x40x125xi32, #tpu.memory_space<hbm>> -> memref<40x125xi32, #tpu.memory_space<hbm>>
      %dma_start3A_53 = arith.constant 0 : i32
      %dma_start3A_54 = arith.constant 0 : i32
      %dma_start3A_55 = tpu.memref_slice %arg3[%add3A, %run_scoped3A_3, %dma_start3A_53, %dma_start3A_54] : memref<32x2x40x125xi32, #tpu.memory_space<hbm>> -> memref<1x1x40x125xi32, #tpu.memory_space<hbm>>
      %dma_start3A_56 = tpu.memref_squeeze %dma_start3A_55 : memref<1x1x40x125xi32, #tpu.memory_space<hbm>> -> memref<40x125xi32, #tpu.memory_space<hbm>>
      tpu.enqueue_dma source(%dma_start3A_56 : memref<40x125xi32, #tpu.memory_space<hbm>>) target(%arg8 : memref<40x125xi32, #tpu.memory_space<vmem>>) target_semaphore(%run_scoped3A_48 : memref<!tpu.dma_semaphore, #tpu.memory_space<semaphore_mem>>)
      %dma_wait3A_57 = arith.constant 0 : i32
      %dma_wait3A_58 = arith.constant 0 : i32
      %dma_wait3A_59 = tpu.memref_slice %arg3[%add3A, %run_scoped3A_3, %dma_wait3A_57, %dma_wait3A_58] : memref<32x2x40x125xi32, #tpu.memory_space<hbm>> -> memref<1x1x40x125xi32, #tpu.memory_space<hbm>>
      %dma_wait3A_60 = tpu.memref_squeeze %dma_wait3A_59 : memref<1x1x40x125xi32, #tpu.memory_space<hbm>> -> memref<40x125xi32, #tpu.memory_space<hbm>>
      %dma_wait3A_61 = arith.constant 0 : i32
      %dma_wait3A_62 = arith.constant 0 : i32
      %dma_wait3A_63 = tpu.memref_slice %arg3[%add3A, %run_scoped3A_3, %dma_wait3A_61, %dma_wait3A_62] : memref<32x2x40x125xi32, #tpu.memory_space<hbm>> -> memref<1x1x40x125xi32, #tpu.memory_space<hbm>>
      %dma_wait3A_64 = tpu.memref_squeeze %dma_wait3A_63 : memref<1x1x40x125xi32, #tpu.memory_space<hbm>> -> memref<40x125xi32, #tpu.memory_space<hbm>>
      tpu.wait_dma2 semaphore(%run_scoped3A_48 : memref<!tpu.dma_semaphore, #tpu.memory_space<semaphore_mem>>) src(%dma_wait3A_64 : memref<40x125xi32, #tpu.memory_space<hbm>>) dst(%arg8 : memref<40x125xi32, #tpu.memory_space<vmem>>)
      tpu.yield
    }) : () -> ()
    %dma_start3A = arith.constant 0 : i32
    %dma_start3A_4 = arith.constant 0 : i32
    %dma_start3A_5 = tpu.memref_slice %arg7[%dma_start3A, %dma_start3A_4] : memref<40x125xi32, #tpu.memory_space<vmem>> -> memref<1x125xi32, #tpu.memory_space<vmem>>
    %dma_start3A_6 = tpu.memref_squeeze %dma_start3A_5 : memref<1x125xi32, #tpu.memory_space<vmem>> -> memref<125xi32, #tpu.memory_space<vmem>>
    %dma_start3A_7 = arith.constant 0 : i32
    %dma_start3A_8 = arith.constant 0 : i32
    %dma_start3A_9 = tpu.memref_slice %arg4[%dma_start3A_7, %dma_start3A_8] : memref<10000x128xf32, #tpu.memory_space<hbm>> -> memref<10000x128xf32, #tpu.memory_space<hbm>>
    tpu.enqueue_indirect_dma source(%dma_start3A_9 : memref<10000x128xf32, #tpu.memory_space<hbm>>) target(%arg9 : memref<125x128xf32, #tpu.memory_space<vmem>>) offsets(%dma_start3A_6 : memref<125xi32, #tpu.memory_space<vmem>>) semaphore(%arg12 : memref<!tpu.dma_semaphore, #tpu.memory_space<semaphore_mem>>)
    %scan3A = arith.constant 0 : i32
    %scan3A_10 = arith.constant 0 : i32
    %scan3A_11 = arith.constant 20 : i32
    %scan3A_12 = arith.addi %scan3A_10, %scan3A_11 : i32
    %scan3A_13 = arith.constant 1 : i32
    scf.for %scan3A_48 = %scan3A_10 to %scan3A_12 step %scan3A_13  : i32 {
      %mul3A_49 = arith.constant 2 : i32
      %mul3A_50 = arith.muli %mul3A_49, %scan3A_48 : i32
      %add3A_51 = arith.constant 1 : i32
      %add3A_52 = arith.addi %mul3A_50, %add3A_51 : i32
      %dma_start3A_53 = arith.constant 0 : i32
      %dma_start3A_54 = tpu.memref_slice %arg7[%add3A_52, %dma_start3A_53] : memref<40x125xi32, #tpu.memory_space<vmem>> -> memref<1x125xi32, #tpu.memory_space<vmem>>
      %dma_start3A_55 = tpu.memref_squeeze %dma_start3A_54 : memref<1x125xi32, #tpu.memory_space<vmem>> -> memref<125xi32, #tpu.memory_space<vmem>>
      %dma_start3A_56 = arith.constant 0 : i32
      %dma_start3A_57 = arith.constant 0 : i32
      %dma_start3A_58 = tpu.memref_slice %arg4[%dma_start3A_56, %dma_start3A_57] : memref<10000x128xf32, #tpu.memory_space<hbm>> -> memref<10000x128xf32, #tpu.memory_space<hbm>>
      tpu.enqueue_indirect_dma source(%dma_start3A_58 : memref<10000x128xf32, #tpu.memory_space<hbm>>) target(%arg10 : memref<125x128xf32, #tpu.memory_space<vmem>>) offsets(%dma_start3A_55 : memref<125xi32, #tpu.memory_space<vmem>>) semaphore(%arg13 : memref<!tpu.dma_semaphore, #tpu.memory_space<semaphore_mem>>)
      %dma_wait3A_59 = arith.constant 0 : i32
      %dma_wait3A_60 = tpu.memref_slice %arg7[%mul3A_50, %dma_wait3A_59] : memref<40x125xi32, #tpu.memory_space<vmem>> -> memref<1x125xi32, #tpu.memory_space<vmem>>
      %dma_wait3A_61 = tpu.memref_squeeze %dma_wait3A_60 : memref<1x125xi32, #tpu.memory_space<vmem>> -> memref<125xi32, #tpu.memory_space<vmem>>
      %dma_wait3A_62 = arith.constant 0 : i32
      %dma_wait3A_63 = arith.constant 0 : i32
      %dma_wait3A_64 = tpu.memref_slice %arg4[%dma_wait3A_62, %dma_wait3A_63] : memref<10000x128xf32, #tpu.memory_space<hbm>> -> memref<10000x128xf32, #tpu.memory_space<hbm>>
      tpu.wait_indirect_dma semaphore(%arg12 : memref<!tpu.dma_semaphore, #tpu.memory_space<semaphore_mem>>) src(%dma_wait3A_64 : memref<10000x128xf32, #tpu.memory_space<hbm>>) dst(%arg9 : memref<125x128xf32, #tpu.memory_space<vmem>>)
      "tpu.region"() ({
        %run_scoped3A_84 = tpu.sem_alloc : memref<!tpu.dma_semaphore, #tpu.memory_space<semaphore_mem>>
        %dma_start3A_85 = arith.constant 0 : i32
        %dma_start3A_86 = tpu.memref_slice %arg8[%mul3A_50, %dma_start3A_85] : memref<40x125xi32, #tpu.memory_space<vmem>> -> memref<1x125xi32, #tpu.memory_space<vmem>>
        %dma_start3A_87 = tpu.memref_squeeze %dma_start3A_86 : memref<1x125xi32, #tpu.memory_space<vmem>> -> memref<125xi32, #tpu.memory_space<vmem>>
        %dma_start3A_88 = arith.constant 0 : i32
        %dma_start3A_89 = arith.constant 0 : i32
        %dma_start3A_90 = tpu.memref_slice %arg11[%dma_start3A_88, %dma_start3A_89] : memref<10240x128xf32, #tpu.memory_space<vmem_shared>> -> memref<10240x128xf32, #tpu.memory_space<vmem_shared>>
        tpu.enqueue_indirect_dma source(%arg9 : memref<125x128xf32, #tpu.memory_space<vmem>>) target(%dma_start3A_90 : memref<10240x128xf32, #tpu.memory_space<vmem_shared>>) offsets(%dma_start3A_87 : memref<125xi32, #tpu.memory_space<vmem>>) semaphore(%run_scoped3A_84 : memref<!tpu.dma_semaphore, #tpu.memory_space<semaphore_mem>>) {add = true}
        %dma_wait3A_91 = arith.constant 0 : i32
        %dma_wait3A_92 = tpu.memref_slice %arg8[%mul3A_50, %dma_wait3A_91] : memref<40x125xi32, #tpu.memory_space<vmem>> -> memref<1x125xi32, #tpu.memory_space<vmem>>
        %dma_wait3A_93 = tpu.memref_squeeze %dma_wait3A_92 : memref<1x125xi32, #tpu.memory_space<vmem>> -> memref<125xi32, #tpu.memory_space<vmem>>
        %dma_wait3A_94 = arith.constant 0 : i32
        %dma_wait3A_95 = arith.constant 0 : i32
        %dma_wait3A_96 = tpu.memref_slice %arg11[%dma_wait3A_94, %dma_wait3A_95] : memref<10240x128xf32, #tpu.memory_space<vmem_shared>> -> memref<10240x128xf32, #tpu.memory_space<vmem_shared>>
        tpu.wait_indirect_dma semaphore(%run_scoped3A_84 : memref<!tpu.dma_semaphore, #tpu.memory_space<semaphore_mem>>) src(%arg9 : memref<125x128xf32, #tpu.memory_space<vmem>>) dst(%dma_wait3A_96 : memref<10240x128xf32, #tpu.memory_space<vmem_shared>>)
        tpu.yield
      }) : () -> ()
      %add3A_65 = arith.constant 2 : i32
      %add3A_66 = arith.addi %mul3A_50, %add3A_65 : i32
      %min3A = arith.constant 39 : i32
      %min3A_67 = arith.minsi %add3A_66, %min3A : i32
      %dma_start3A_68 = arith.constant 0 : i32
      %dma_start3A_69 = tpu.memref_slice %arg7[%min3A_67, %dma_start3A_68] : memref<40x125xi32, #tpu.memory_space<vmem>> -> memref<1x125xi32, #tpu.memory_space<vmem>>
      %dma_start3A_70 = tpu.memref_squeeze %dma_start3A_69 : memref<1x125xi32, #tpu.memory_space<vmem>> -> memref<125xi32, #tpu.memory_space<vmem>>
      %dma_start3A_71 = arith.constant 0 : i32
      %dma_start3A_72 = arith.constant 0 : i32
      %dma_start3A_73 = tpu.memref_slice %arg4[%dma_start3A_71, %dma_start3A_72] : memref<10000x128xf32, #tpu.memory_space<hbm>> -> memref<10000x128xf32, #tpu.memory_space<hbm>>
      tpu.enqueue_indirect_dma source(%dma_start3A_73 : memref<10000x128xf32, #tpu.memory_space<hbm>>) target(%arg9 : memref<125x128xf32, #tpu.memory_space<vmem>>) offsets(%dma_start3A_70 : memref<125xi32, #tpu.memory_space<vmem>>) semaphore(%arg12 : memref<!tpu.dma_semaphore, #tpu.memory_space<semaphore_mem>>)
      %add3A_74 = arith.constant 1 : i32
      %add3A_75 = arith.addi %mul3A_50, %add3A_74 : i32
      %dma_wait3A_76 = arith.constant 0 : i32
      %dma_wait3A_77 = tpu.memref_slice %arg7[%add3A_75, %dma_wait3A_76] : memref<40x125xi32, #tpu.memory_space<vmem>> -> memref<1x125xi32, #tpu.memory_space<vmem>>
      %dma_wait3A_78 = tpu.memref_squeeze %dma_wait3A_77 : memref<1x125xi32, #tpu.memory_space<vmem>> -> memref<125xi32, #tpu.memory_space<vmem>>
      %dma_wait3A_79 = arith.constant 0 : i32
      %dma_wait3A_80 = arith.constant 0 : i32
      %dma_wait3A_81 = tpu.memref_slice %arg4[%dma_wait3A_79, %dma_wait3A_80] : memref<10000x128xf32, #tpu.memory_space<hbm>> -> memref<10000x128xf32, #tpu.memory_space<hbm>>
      tpu.wait_indirect_dma semaphore(%arg13 : memref<!tpu.dma_semaphore, #tpu.memory_space<semaphore_mem>>) src(%dma_wait3A_81 : memref<10000x128xf32, #tpu.memory_space<hbm>>) dst(%arg10 : memref<125x128xf32, #tpu.memory_space<vmem>>)
      %add3A_82 = arith.constant 1 : i32
      %add3A_83 = arith.addi %mul3A_50, %add3A_82 : i32
      "tpu.region"() ({
        %run_scoped3A_84 = tpu.sem_alloc : memref<!tpu.dma_semaphore, #tpu.memory_space<semaphore_mem>>
        %dma_start3A_85 = arith.constant 0 : i32
        %dma_start3A_86 = tpu.memref_slice %arg8[%add3A_83, %dma_start3A_85] : memref<40x125xi32, #tpu.memory_space<vmem>> -> memref<1x125xi32, #tpu.memory_space<vmem>>
        %dma_start3A_87 = tpu.memref_squeeze %dma_start3A_86 : memref<1x125xi32, #tpu.memory_space<vmem>> -> memref<125xi32, #tpu.memory_space<vmem>>
        %dma_start3A_88 = arith.constant 0 : i32
        %dma_start3A_89 = arith.constant 0 : i32
        %dma_start3A_90 = tpu.memref_slice %arg11[%dma_start3A_88, %dma_start3A_89] : memref<10240x128xf32, #tpu.memory_space<vmem_shared>> -> memref<10240x128xf32, #tpu.memory_space<vmem_shared>>
        tpu.enqueue_indirect_dma source(%arg10 : memref<125x128xf32, #tpu.memory_space<vmem>>) target(%dma_start3A_90 : memref<10240x128xf32, #tpu.memory_space<vmem_shared>>) offsets(%dma_start3A_87 : memref<125xi32, #tpu.memory_space<vmem>>) semaphore(%run_scoped3A_84 : memref<!tpu.dma_semaphore, #tpu.memory_space<semaphore_mem>>) {add = true}
        %dma_wait3A_91 = arith.constant 0 : i32
        %dma_wait3A_92 = tpu.memref_slice %arg8[%add3A_83, %dma_wait3A_91] : memref<40x125xi32, #tpu.memory_space<vmem>> -> memref<1x125xi32, #tpu.memory_space<vmem>>
        %dma_wait3A_93 = tpu.memref_squeeze %dma_wait3A_92 : memref<1x125xi32, #tpu.memory_space<vmem>> -> memref<125xi32, #tpu.memory_space<vmem>>
        %dma_wait3A_94 = arith.constant 0 : i32
        %dma_wait3A_95 = arith.constant 0 : i32
        %dma_wait3A_96 = tpu.memref_slice %arg11[%dma_wait3A_94, %dma_wait3A_95] : memref<10240x128xf32, #tpu.memory_space<vmem_shared>> -> memref<10240x128xf32, #tpu.memory_space<vmem_shared>>
        tpu.wait_indirect_dma semaphore(%run_scoped3A_84 : memref<!tpu.dma_semaphore, #tpu.memory_space<semaphore_mem>>) src(%arg10 : memref<125x128xf32, #tpu.memory_space<vmem>>) dst(%dma_wait3A_96 : memref<10240x128xf32, #tpu.memory_space<vmem_shared>>)
        tpu.yield
      }) : () -> ()
    }
    %scan3A_14 = arith.constant 20 : i32
    %dma_wait3A = arith.constant 39 : i32
    %dma_wait3A_15 = arith.constant 0 : i32
    %dma_wait3A_16 = tpu.memref_slice %arg7[%dma_wait3A, %dma_wait3A_15] : memref<40x125xi32, #tpu.memory_space<vmem>> -> memref<1x125xi32, #tpu.memory_space<vmem>>
    %dma_wait3A_17 = tpu.memref_squeeze %dma_wait3A_16 : memref<1x125xi32, #tpu.memory_space<vmem>> -> memref<125xi32, #tpu.memory_space<vmem>>
    %dma_wait3A_18 = arith.constant 0 : i32
    %dma_wait3A_19 = arith.constant 0 : i32
    %dma_wait3A_20 = tpu.memref_slice %arg4[%dma_wait3A_18, %dma_wait3A_19] : memref<10000x128xf32, #tpu.memory_space<hbm>> -> memref<10000x128xf32, #tpu.memory_space<hbm>>
    tpu.wait_indirect_dma semaphore(%arg12 : memref<!tpu.dma_semaphore, #tpu.memory_space<semaphore_mem>>) src(%dma_wait3A_20 : memref<10000x128xf32, #tpu.memory_space<hbm>>) dst(%arg9 : memref<125x128xf32, #tpu.memory_space<vmem>>)
    %run_scoped3A_21 = arith.constant 1 : i32
    "tpu.region"() ({
      %run_scoped3A_48 = tpu.sem_alloc : memref<!tpu.dma_semaphore, #tpu.memory_space<semaphore_mem>>
      %dma_start3A_49 = arith.constant 0 : i32
      %dma_start3A_50 = arith.constant 0 : i32
      %dma_start3A_51 = tpu.memref_slice %arg2[%add3A, %run_scoped3A_21, %dma_start3A_49, %dma_start3A_50] : memref<32x2x40x125xi32, #tpu.memory_space<hbm>> -> memref<1x1x40x125xi32, #tpu.memory_space<hbm>>
      %dma_start3A_52 = tpu.memref_squeeze %dma_start3A_51 : memref<1x1x40x125xi32, #tpu.memory_space<hbm>> -> memref<40x125xi32, #tpu.memory_space<hbm>>
      %dma_start3A_53 = arith.constant 0 : i32
      %dma_start3A_54 = arith.constant 0 : i32
      %dma_start3A_55 = tpu.memref_slice %arg2[%add3A, %run_scoped3A_21, %dma_start3A_53, %dma_start3A_54] : memref<32x2x40x125xi32, #tpu.memory_space<hbm>> -> memref<1x1x40x125xi32, #tpu.memory_space<hbm>>
      %dma_start3A_56 = tpu.memref_squeeze %dma_start3A_55 : memref<1x1x40x125xi32, #tpu.memory_space<hbm>> -> memref<40x125xi32, #tpu.memory_space<hbm>>
      tpu.enqueue_dma source(%dma_start3A_56 : memref<40x125xi32, #tpu.memory_space<hbm>>) target(%arg7 : memref<40x125xi32, #tpu.memory_space<vmem>>) target_semaphore(%run_scoped3A_48 : memref<!tpu.dma_semaphore, #tpu.memory_space<semaphore_mem>>)
      %dma_wait3A_57 = arith.constant 0 : i32
      %dma_wait3A_58 = arith.constant 0 : i32
      %dma_wait3A_59 = tpu.memref_slice %arg2[%add3A, %run_scoped3A_21, %dma_wait3A_57, %dma_wait3A_58] : memref<32x2x40x125xi32, #tpu.memory_space<hbm>> -> memref<1x1x40x125xi32, #tpu.memory_space<hbm>>
      %dma_wait3A_60 = tpu.memref_squeeze %dma_wait3A_59 : memref<1x1x40x125xi32, #tpu.memory_space<hbm>> -> memref<40x125xi32, #tpu.memory_space<hbm>>
      %dma_wait3A_61 = arith.constant 0 : i32
      %dma_wait3A_62 = arith.constant 0 : i32
      %dma_wait3A_63 = tpu.memref_slice %arg2[%add3A, %run_scoped3A_21, %dma_wait3A_61, %dma_wait3A_62] : memref<32x2x40x125xi32, #tpu.memory_space<hbm>> -> memref<1x1x40x125xi32, #tpu.memory_space<hbm>>
      %dma_wait3A_64 = tpu.memref_squeeze %dma_wait3A_63 : memref<1x1x40x125xi32, #tpu.memory_space<hbm>> -> memref<40x125xi32, #tpu.memory_space<hbm>>
      tpu.wait_dma2 semaphore(%run_scoped3A_48 : memref<!tpu.dma_semaphore, #tpu.memory_space<semaphore_mem>>) src(%dma_wait3A_64 : memref<40x125xi32, #tpu.memory_space<hbm>>) dst(%arg7 : memref<40x125xi32, #tpu.memory_space<vmem>>)
      tpu.yield
    }) : () -> ()
    %run_scoped3A_22 = arith.constant 1 : i32
    "tpu.region"() ({
      %run_scoped3A_48 = tpu.sem_alloc : memref<!tpu.dma_semaphore, #tpu.memory_space<semaphore_mem>>
      %dma_start3A_49 = arith.constant 0 : i32
      %dma_start3A_50 = arith.constant 0 : i32
      %dma_start3A_51 = tpu.memref_slice %arg3[%add3A, %run_scoped3A_22, %dma_start3A_49, %dma_start3A_50] : memref<32x2x40x125xi32, #tpu.memory_space<hbm>> -> memref<1x1x40x125xi32, #tpu.memory_space<hbm>>
      %dma_start3A_52 = tpu.memref_squeeze %dma_start3A_51 : memref<1x1x40x125xi32, #tpu.memory_space<hbm>> -> memref<40x125xi32, #tpu.memory_space<hbm>>
      %dma_start3A_53 = arith.constant 0 : i32
      %dma_start3A_54 = arith.constant 0 : i32
      %dma_start3A_55 = tpu.memref_slice %arg3[%add3A, %run_scoped3A_22, %dma_start3A_53, %dma_start3A_54] : memref<32x2x40x125xi32, #tpu.memory_space<hbm>> -> memref<1x1x40x125xi32, #tpu.memory_space<hbm>>
      %dma_start3A_56 = tpu.memref_squeeze %dma_start3A_55 : memref<1x1x40x125xi32, #tpu.memory_space<hbm>> -> memref<40x125xi32, #tpu.memory_space<hbm>>
      tpu.enqueue_dma source(%dma_start3A_56 : memref<40x125xi32, #tpu.memory_space<hbm>>) target(%arg8 : memref<40x125xi32, #tpu.memory_space<vmem>>) target_semaphore(%run_scoped3A_48 : memref<!tpu.dma_semaphore, #tpu.memory_space<semaphore_mem>>)
      %dma_wait3A_57 = arith.constant 0 : i32
      %dma_wait3A_58 = arith.constant 0 : i32
      %dma_wait3A_59 = tpu.memref_slice %arg3[%add3A, %run_scoped3A_22, %dma_wait3A_57, %dma_wait3A_58] : memref<32x2x40x125xi32, #tpu.memory_space<hbm>> -> memref<1x1x40x125xi32, #tpu.memory_space<hbm>>
      %dma_wait3A_60 = tpu.memref_squeeze %dma_wait3A_59 : memref<1x1x40x125xi32, #tpu.memory_space<hbm>> -> memref<40x125xi32, #tpu.memory_space<hbm>>
      %dma_wait3A_61 = arith.constant 0 : i32
      %dma_wait3A_62 = arith.constant 0 : i32
      %dma_wait3A_63 = tpu.memref_slice %arg3[%add3A, %run_scoped3A_22, %dma_wait3A_61, %dma_wait3A_62] : memref<32x2x40x125xi32, #tpu.memory_space<hbm>> -> memref<1x1x40x125xi32, #tpu.memory_space<hbm>>
      %dma_wait3A_64 = tpu.memref_squeeze %dma_wait3A_63 : memref<1x1x40x125xi32, #tpu.memory_space<hbm>> -> memref<40x125xi32, #tpu.memory_space<hbm>>
      tpu.wait_dma2 semaphore(%run_scoped3A_48 : memref<!tpu.dma_semaphore, #tpu.memory_space<semaphore_mem>>) src(%dma_wait3A_64 : memref<40x125xi32, #tpu.memory_space<hbm>>) dst(%arg8 : memref<40x125xi32, #tpu.memory_space<vmem>>)
      tpu.yield
    }) : () -> ()
    %dma_start3A_23 = arith.constant 0 : i32
    %dma_start3A_24 = arith.constant 0 : i32
    %dma_start3A_25 = tpu.memref_slice %arg7[%dma_start3A_23, %dma_start3A_24] : memref<40x125xi32, #tpu.memory_space<vmem>> -> memref<1x125xi32, #tpu.memory_space<vmem>>
    %dma_start3A_26 = tpu.memref_squeeze %dma_start3A_25 : memref<1x125xi32, #tpu.memory_space<vmem>> -> memref<125xi32, #tpu.memory_space<vmem>>
    %dma_start3A_27 = arith.constant 0 : i32
    %dma_start3A_28 = arith.constant 0 : i32
    %dma_start3A_29 = tpu.memref_slice %arg4[%dma_start3A_27, %dma_start3A_28] : memref<10000x128xf32, #tpu.memory_space<hbm>> -> memref<10000x128xf32, #tpu.memory_space<hbm>>
    tpu.enqueue_indirect_dma source(%dma_start3A_29 : memref<10000x128xf32, #tpu.memory_space<hbm>>) target(%arg9 : memref<125x128xf32, #tpu.memory_space<vmem>>) offsets(%dma_start3A_26 : memref<125xi32, #tpu.memory_space<vmem>>) semaphore(%arg12 : memref<!tpu.dma_semaphore, #tpu.memory_space<semaphore_mem>>)
    %scan3A_30 = arith.constant 0 : i32
    %scan3A_31 = arith.constant 0 : i32
    %scan3A_32 = arith.constant 20 : i32
    %scan3A_33 = arith.addi %scan3A_31, %scan3A_32 : i32
    %scan3A_34 = arith.constant 1 : i32
    scf.for %scan3A_48 = %scan3A_31 to %scan3A_33 step %scan3A_34  : i32 {
      %mul3A_49 = arith.constant 2 : i32
      %mul3A_50 = arith.muli %mul3A_49, %scan3A_48 : i32
      %add3A_51 = arith.constant 1 : i32
      %add3A_52 = arith.addi %mul3A_50, %add3A_51 : i32
      %dma_start3A_53 = arith.constant 0 : i32
      %dma_start3A_54 = tpu.memref_slice %arg7[%add3A_52, %dma_start3A_53] : memref<40x125xi32, #tpu.memory_space<vmem>> -> memref<1x125xi32, #tpu.memory_space<vmem>>
      %dma_start3A_55 = tpu.memref_squeeze %dma_start3A_54 : memref<1x125xi32, #tpu.memory_space<vmem>> -> memref<125xi32, #tpu.memory_space<vmem>>
      %dma_start3A_56 = arith.constant 0 : i32
      %dma_start3A_57 = arith.constant 0 : i32
      %dma_start3A_58 = tpu.memref_slice %arg4[%dma_start3A_56, %dma_start3A_57] : memref<10000x128xf32, #tpu.memory_space<hbm>> -> memref<10000x128xf32, #tpu.memory_space<hbm>>
      tpu.enqueue_indirect_dma source(%dma_start3A_58 : memref<10000x128xf32, #tpu.memory_space<hbm>>) target(%arg10 : memref<125x128xf32, #tpu.memory_space<vmem>>) offsets(%dma_start3A_55 : memref<125xi32, #tpu.memory_space<vmem>>) semaphore(%arg13 : memref<!tpu.dma_semaphore, #tpu.memory_space<semaphore_mem>>)
      %dma_wait3A_59 = arith.constant 0 : i32
      %dma_wait3A_60 = tpu.memref_slice %arg7[%mul3A_50, %dma_wait3A_59] : memref<40x125xi32, #tpu.memory_space<vmem>> -> memref<1x125xi32, #tpu.memory_space<vmem>>
      %dma_wait3A_61 = tpu.memref_squeeze %dma_wait3A_60 : memref<1x125xi32, #tpu.memory_space<vmem>> -> memref<125xi32, #tpu.memory_space<vmem>>
      %dma_wait3A_62 = arith.constant 0 : i32
      %dma_wait3A_63 = arith.constant 0 : i32
      %dma_wait3A_64 = tpu.memref_slice %arg4[%dma_wait3A_62, %dma_wait3A_63] : memref<10000x128xf32, #tpu.memory_space<hbm>> -> memref<10000x128xf32, #tpu.memory_space<hbm>>
      tpu.wait_indirect_dma semaphore(%arg12 : memref<!tpu.dma_semaphore, #tpu.memory_space<semaphore_mem>>) src(%dma_wait3A_64 : memref<10000x128xf32, #tpu.memory_space<hbm>>) dst(%arg9 : memref<125x128xf32, #tpu.memory_space<vmem>>)
      "tpu.region"() ({
        %run_scoped3A_84 = tpu.sem_alloc : memref<!tpu.dma_semaphore, #tpu.memory_space<semaphore_mem>>
        %dma_start3A_85 = arith.constant 0 : i32
        %dma_start3A_86 = tpu.memref_slice %arg8[%mul3A_50, %dma_start3A_85] : memref<40x125xi32, #tpu.memory_space<vmem>> -> memref<1x125xi32, #tpu.memory_space<vmem>>
        %dma_start3A_87 = tpu.memref_squeeze %dma_start3A_86 : memref<1x125xi32, #tpu.memory_space<vmem>> -> memref<125xi32, #tpu.memory_space<vmem>>
        %dma_start3A_88 = arith.constant 0 : i32
        %dma_start3A_89 = arith.constant 0 : i32
        %dma_start3A_90 = tpu.memref_slice %arg11[%dma_start3A_88, %dma_start3A_89] : memref<10240x128xf32, #tpu.memory_space<vmem_shared>> -> memref<10240x128xf32, #tpu.memory_space<vmem_shared>>
        tpu.enqueue_indirect_dma source(%arg9 : memref<125x128xf32, #tpu.memory_space<vmem>>) target(%dma_start3A_90 : memref<10240x128xf32, #tpu.memory_space<vmem_shared>>) offsets(%dma_start3A_87 : memref<125xi32, #tpu.memory_space<vmem>>) semaphore(%run_scoped3A_84 : memref<!tpu.dma_semaphore, #tpu.memory_space<semaphore_mem>>) {add = true}
        %dma_wait3A_91 = arith.constant 0 : i32
        %dma_wait3A_92 = tpu.memref_slice %arg8[%mul3A_50, %dma_wait3A_91] : memref<40x125xi32, #tpu.memory_space<vmem>> -> memref<1x125xi32, #tpu.memory_space<vmem>>
        %dma_wait3A_93 = tpu.memref_squeeze %dma_wait3A_92 : memref<1x125xi32, #tpu.memory_space<vmem>> -> memref<125xi32, #tpu.memory_space<vmem>>
        %dma_wait3A_94 = arith.constant 0 : i32
        %dma_wait3A_95 = arith.constant 0 : i32
        %dma_wait3A_96 = tpu.memref_slice %arg11[%dma_wait3A_94, %dma_wait3A_95] : memref<10240x128xf32, #tpu.memory_space<vmem_shared>> -> memref<10240x128xf32, #tpu.memory_space<vmem_shared>>
        tpu.wait_indirect_dma semaphore(%run_scoped3A_84 : memref<!tpu.dma_semaphore, #tpu.memory_space<semaphore_mem>>) src(%arg9 : memref<125x128xf32, #tpu.memory_space<vmem>>) dst(%dma_wait3A_96 : memref<10240x128xf32, #tpu.memory_space<vmem_shared>>)
        tpu.yield
      }) : () -> ()
      %add3A_65 = arith.constant 2 : i32
      %add3A_66 = arith.addi %mul3A_50, %add3A_65 : i32
      %min3A = arith.constant 39 : i32
      %min3A_67 = arith.minsi %add3A_66, %min3A : i32
      %dma_start3A_68 = arith.constant 0 : i32
      %dma_start3A_69 = tpu.memref_slice %arg7[%min3A_67, %dma_start3A_68] : memref<40x125xi32, #tpu.memory_space<vmem>> -> memref<1x125xi32, #tpu.memory_space<vmem>>
      %dma_start3A_70 = tpu.memref_squeeze %dma_start3A_69 : memref<1x125xi32, #tpu.memory_space<vmem>> -> memref<125xi32, #tpu.memory_space<vmem>>
      %dma_start3A_71 = arith.constant 0 : i32
      %dma_start3A_72 = arith.constant 0 : i32
      %dma_start3A_73 = tpu.memref_slice %arg4[%dma_start3A_71, %dma_start3A_72] : memref<10000x128xf32, #tpu.memory_space<hbm>> -> memref<10000x128xf32, #tpu.memory_space<hbm>>
      tpu.enqueue_indirect_dma source(%dma_start3A_73 : memref<10000x128xf32, #tpu.memory_space<hbm>>) target(%arg9 : memref<125x128xf32, #tpu.memory_space<vmem>>) offsets(%dma_start3A_70 : memref<125xi32, #tpu.memory_space<vmem>>) semaphore(%arg12 : memref<!tpu.dma_semaphore, #tpu.memory_space<semaphore_mem>>)
      %add3A_74 = arith.constant 1 : i32
      %add3A_75 = arith.addi %mul3A_50, %add3A_74 : i32
      %dma_wait3A_76 = arith.constant 0 : i32
      %dma_wait3A_77 = tpu.memref_slice %arg7[%add3A_75, %dma_wait3A_76] : memref<40x125xi32, #tpu.memory_space<vmem>> -> memref<1x125xi32, #tpu.memory_space<vmem>>
      %dma_wait3A_78 = tpu.memref_squeeze %dma_wait3A_77 : memref<1x125xi32, #tpu.memory_space<vmem>> -> memref<125xi32, #tpu.memory_space<vmem>>
      %dma_wait3A_79 = arith.constant 0 : i32
      %dma_wait3A_80 = arith.constant 0 : i32
      %dma_wait3A_81 = tpu.memref_slice %arg4[%dma_wait3A_79, %dma_wait3A_80] : memref<10000x128xf32, #tpu.memory_space<hbm>> -> memref<10000x128xf32, #tpu.memory_space<hbm>>
      tpu.wait_indirect_dma semaphore(%arg13 : memref<!tpu.dma_semaphore, #tpu.memory_space<semaphore_mem>>) src(%dma_wait3A_81 : memref<10000x128xf32, #tpu.memory_space<hbm>>) dst(%arg10 : memref<125x128xf32, #tpu.memory_space<vmem>>)
      %add3A_82 = arith.constant 1 : i32
      %add3A_83 = arith.addi %mul3A_50, %add3A_82 : i32
      "tpu.region"() ({
        %run_scoped3A_84 = tpu.sem_alloc : memref<!tpu.dma_semaphore, #tpu.memory_space<semaphore_mem>>
        %dma_start3A_85 = arith.constant 0 : i32
        %dma_start3A_86 = tpu.memref_slice %arg8[%add3A_83, %dma_start3A_85] : memref<40x125xi32, #tpu.memory_space<vmem>> -> memref<1x125xi32, #tpu.memory_space<vmem>>
        %dma_start3A_87 = tpu.memref_squeeze %dma_start3A_86 : memref<1x125xi32, #tpu.memory_space<vmem>> -> memref<125xi32, #tpu.memory_space<vmem>>
        %dma_start3A_88 = arith.constant 0 : i32
        %dma_start3A_89 = arith.constant 0 : i32
        %dma_start3A_90 = tpu.memref_slice %arg11[%dma_start3A_88, %dma_start3A_89] : memref<10240x128xf32, #tpu.memory_space<vmem_shared>> -> memref<10240x128xf32, #tpu.memory_space<vmem_shared>>
        tpu.enqueue_indirect_dma source(%arg10 : memref<125x128xf32, #tpu.memory_space<vmem>>) target(%dma_start3A_90 : memref<10240x128xf32, #tpu.memory_space<vmem_shared>>) offsets(%dma_start3A_87 : memref<125xi32, #tpu.memory_space<vmem>>) semaphore(%run_scoped3A_84 : memref<!tpu.dma_semaphore, #tpu.memory_space<semaphore_mem>>) {add = true}
        %dma_wait3A_91 = arith.constant 0 : i32
        %dma_wait3A_92 = tpu.memref_slice %arg8[%add3A_83, %dma_wait3A_91] : memref<40x125xi32, #tpu.memory_space<vmem>> -> memref<1x125xi32, #tpu.memory_space<vmem>>
        %dma_wait3A_93 = tpu.memref_squeeze %dma_wait3A_92 : memref<1x125xi32, #tpu.memory_space<vmem>> -> memref<125xi32, #tpu.memory_space<vmem>>
        %dma_wait3A_94 = arith.constant 0 : i32
        %dma_wait3A_95 = arith.constant 0 : i32
        %dma_wait3A_96 = tpu.memref_slice %arg11[%dma_wait3A_94, %dma_wait3A_95] : memref<10240x128xf32, #tpu.memory_space<vmem_shared>> -> memref<10240x128xf32, #tpu.memory_space<vmem_shared>>
        tpu.wait_indirect_dma semaphore(%run_scoped3A_84 : memref<!tpu.dma_semaphore, #tpu.memory_space<semaphore_mem>>) src(%arg10 : memref<125x128xf32, #tpu.memory_space<vmem>>) dst(%dma_wait3A_96 : memref<10240x128xf32, #tpu.memory_space<vmem_shared>>)
        tpu.yield
      }) : () -> ()
    }
    %scan3A_35 = arith.constant 20 : i32
    %dma_wait3A_36 = arith.constant 39 : i32
    %dma_wait3A_37 = arith.constant 0 : i32
    %dma_wait3A_38 = tpu.memref_slice %arg7[%dma_wait3A_36, %dma_wait3A_37] : memref<40x125xi32, #tpu.memory_space<vmem>> -> memref<1x125xi32, #tpu.memory_space<vmem>>
    %dma_wait3A_39 = tpu.memref_squeeze %dma_wait3A_38 : memref<1x125xi32, #tpu.memory_space<vmem>> -> memref<125xi32, #tpu.memory_space<vmem>>
    %dma_wait3A_40 = arith.constant 0 : i32
    %dma_wait3A_41 = arith.constant 0 : i32
    %dma_wait3A_42 = tpu.memref_slice %arg4[%dma_wait3A_40, %dma_wait3A_41] : memref<10000x128xf32, #tpu.memory_space<hbm>> -> memref<10000x128xf32, #tpu.memory_space<hbm>>
    tpu.wait_indirect_dma semaphore(%arg12 : memref<!tpu.dma_semaphore, #tpu.memory_space<semaphore_mem>>) src(%dma_wait3A_42 : memref<10000x128xf32, #tpu.memory_space<hbm>>) dst(%arg9 : memref<125x128xf32, #tpu.memory_space<vmem>>)
    %barrier3A_43 = arith.constant 0 : index
    tpu.barrier barrier_id(%barrier3A_43)
    %mul3A_44 = arith.constant 640 : i32
    %mul3A_45 = arith.muli %arg1, %mul3A_44 : i32
    %mul3A_46 = arith.constant 640 : i32
    %mul3A_47 = arith.muli %arg1, %mul3A_46 : i32
    "tpu.region"() ({
      %run_scoped3A_48 = tpu.sem_alloc : memref<!tpu.dma_semaphore, #tpu.memory_space<semaphore_mem>>
      %dma_start3A_49 = arith.constant 0 : i32
      %dma_start3A_50 = tpu.memref_slice %arg6[%arg0, %mul3A_47, %dma_start3A_49] : memref<2x10240x128xf32, #tpu.memory_space<hbm>> -> memref<1x640x128xf32, #tpu.memory_space<hbm>>
      %dma_start3A_51 = tpu.memref_squeeze %dma_start3A_50 : memref<1x640x128xf32, #tpu.memory_space<hbm>> -> memref<640x128xf32, #tpu.memory_space<hbm>>
      %dma_start3A_52 = arith.constant 0 : i32
      %dma_start3A_53 = tpu.memref_slice %arg11[%mul3A_45, %dma_start3A_52] : memref<10240x128xf32, #tpu.memory_space<vmem_shared>> -> memref<640x128xf32, #tpu.memory_space<vmem_shared>>
      tpu.enqueue_dma source(%dma_start3A_53 : memref<640x128xf32, #tpu.memory_space<vmem_shared>>) target(%dma_start3A_51 : memref<640x128xf32, #tpu.memory_space<hbm>>) target_semaphore(%run_scoped3A_48 : memref<!tpu.dma_semaphore, #tpu.memory_space<semaphore_mem>>)
      %dma_wait3A_54 = arith.constant 0 : i32
      %dma_wait3A_55 = tpu.memref_slice %arg6[%arg0, %mul3A_47, %dma_wait3A_54] : memref<2x10240x128xf32, #tpu.memory_space<hbm>> -> memref<1x640x128xf32, #tpu.memory_space<hbm>>
      %dma_wait3A_56 = tpu.memref_squeeze %dma_wait3A_55 : memref<1x640x128xf32, #tpu.memory_space<hbm>> -> memref<640x128xf32, #tpu.memory_space<hbm>>
      %dma_wait3A_57 = arith.constant 0 : i32
      %dma_wait3A_58 = tpu.memref_slice %arg11[%mul3A_45, %dma_wait3A_57] : memref<10240x128xf32, #tpu.memory_space<vmem_shared>> -> memref<640x128xf32, #tpu.memory_space<vmem_shared>>
      tpu.wait_dma2 semaphore(%run_scoped3A_48 : memref<!tpu.dma_semaphore, #tpu.memory_space<semaphore_mem>>) src(%dma_wait3A_58 : memref<640x128xf32, #tpu.memory_space<vmem_shared>>) dst(%dma_wait3A_56 : memref<640x128xf32, #tpu.memory_space<hbm>>)
      tpu.yield
    }) : () -> ()
    return
  }
}

module attributes {stable_mosaic.version = 14 : i64} {
  func.func @body(%arg0: i32, %arg1: memref<1000x128xf32, #tpu.memory_space<vmem>>, %arg2: memref<128x128xf32, #tpu.memory_space<vmem>>, %arg3: memref<1000x128xf32, #tpu.memory_space<vmem>>) attributes {dimension_semantics = [#tpu.dimension_semantics<arbitrary>], iteration_bounds = array<i64: 10>, scalar_prefetch = 0 : i64, scratch_operands = 0 : i64, tpu.core_type = #tpu.core_type<tc>, window_params = [{transform_indices = @transform_0, window_bounds = array<i64: 1000, 128>}, {pipeline_mode = #tpu.pipeline_mode<synchronous>, transform_indices = @transform_1, window_bounds = array<i64: 128, 128>}, {transform_indices = @transform_2, window_bounds = array<i64: 1000, 128>}]} {
    %get3A = arith.constant 0 : index
    %get3A_0 = arith.constant 0 : index
    %get3A_1 = vector.load %arg1[%get3A, %get3A_0] : memref<1000x128xf32, #tpu.memory_space<vmem>>, vector<1000x128xf32>
    %get3A_2 = arith.constant 0 : index
    %get3A_3 = arith.constant 0 : index
    %get3A_4 = vector.load %arg2[%get3A_2, %get3A_3] : memref<128x128xf32, #tpu.memory_space<vmem>>, vector<128x128xf32>
    %dot_general3A = arith.constant dense<0.000000e+00> : vector<1000x128xf32>
    %dot_general3A_5 = tpu.matmul %get3A_1, %get3A_4, %dot_general3A {dimension_numbers = #tpu.dot_dimension_numbers<[1], [0], [0], [1], [0, 0, 1, 1], [], []>, transpose_lhs_hint = false} : vector<1000x128xf32>, vector<128x128xf32>, vector<1000x128xf32> -> vector<1000x128xf32>
    %swap3A = arith.constant 0 : index
    %swap3A_6 = arith.constant 0 : index
    %swap3A_7 = vector.load %arg3[%swap3A, %swap3A_6] : memref<1000x128xf32, #tpu.memory_space<vmem>>, vector<1000x128xf32>
    tpu.vector_store %arg3[%swap3A, %swap3A_6], %dot_general3A_5 {strides = array<i32>} : memref<1000x128xf32, #tpu.memory_space<vmem>>, vector<1000x128xf32>,
    return
  }
  func.func @transform_0(%arg0: i32) -> (i32, i32) {
    %c0_i32 = arith.constant 0 : i32
    %c0_i32_0 = arith.constant 0 : i32
    return %arg0, %c0_i32 : i32, i32
  }
  func.func @transform_1(%arg0: i32) -> (i32, i32) {
    %c0_i32 = arith.constant 0 : i32
    %c0_i32_0 = arith.constant 0 : i32
    %c0_i32_1 = arith.constant 0 : i32
    return %c0_i32, %c0_i32_0 : i32, i32
  }
  func.func @transform_2(%arg0: i32) -> (i32, i32) {
    %c0_i32 = arith.constant 0 : i32
    %c0_i32_0 = arith.constant 0 : i32
    return %arg0, %c0_i32 : i32, i32
  }
}

module attributes {stable_mosaic.version = 14 : i64} {
  func.func @body(%arg0: i32, %arg1: memref<2x1000x128xf32, #tpu.memory_space<vmem>>, %arg2: memref<1000x128xf32, #tpu.memory_space<vmem>>, %arg3: memref<1000x1xf32, #tpu.memory_space<vmem>>, %arg4: memref<1000x128xf32, #tpu.memory_space<vmem>>) attributes {dimension_semantics = [#tpu.dimension_semantics<arbitrary>], iteration_bounds = array<i64: 10>, scalar_prefetch = 0 : i64, scratch_operands = 0 : i64, tpu.core_type = #tpu.core_type<tc>, window_params = [{transform_indices = @transform_0, window_bounds = array<i64: 2, 1000, 128>}, {transform_indices = @transform_1, window_bounds = array<i64: 1000, 128>}, {transform_indices = @transform_2, window_bounds = array<i64: 1000, 1>}, {transform_indices = @transform_3, window_bounds = array<i64: 1000, 128>}]} {
    %get3A = arith.constant 0 : index
    %get3A_0 = arith.constant 0 : index
    %get3A_1 = arith.constant 0 : index
    %get3A_2 = vector.load %arg1[%get3A, %get3A_0, %get3A_1] : memref<2x1000x128xf32, #tpu.memory_space<vmem>>, vector<1x1000x128xf32>
    %get3A_3 = vector.shape_cast %get3A_2 : vector<1x1000x128xf32> to vector<1000x128xf32>
    %get3A_4 = arith.constant 1 : index
    %get3A_5 = arith.constant 0 : index
    %get3A_6 = arith.constant 0 : index
    %get3A_7 = vector.load %arg1[%get3A_4, %get3A_5, %get3A_6] : memref<2x1000x128xf32, #tpu.memory_space<vmem>>, vector<1x1000x128xf32>
    %get3A_8 = vector.shape_cast %get3A_7 : vector<1x1000x128xf32> to vector<1000x128xf32>
    %add3A = arith.addf %get3A_3, %get3A_8 : vector<1000x128xf32>
    %reduce_sum3A = arith.constant dense<0.000000e+00> : vector<1000xf32>
    %reduce_sum3A_9 = vector.multi_reduction <add>, %add3A, %reduce_sum3A [1] : vector<1000x128xf32> to vector<1000xf32>
    %broadcast_in_dim3A = vector.shape_cast %reduce_sum3A_9 : vector<1000xf32> to vector<1000x1xf32>
    %mul3A = arith.constant 7.812500e-03 : f32
    %mul3A_10 = vector.broadcast %mul3A : f32 to vector<1000x1xf32>
    %mul3A_11 = arith.mulf %broadcast_in_dim3A, %mul3A_10 : vector<1000x1xf32>
    %add3A_12 = arith.constant 1.000000e+00 : f32
    %add3A_13 = vector.broadcast %add3A_12 : f32 to vector<1000x1xf32>
    %add3A_14 = arith.addf %mul3A_11, %add3A_13 : vector<1000x1xf32>
    %rsqrt3A = math.rsqrt %add3A_14 : vector<1000x1xf32>
    %swap3A = arith.constant 0 : index
    %swap3A_15 = arith.constant 0 : index
    %swap3A_16 = vector.load %arg3[%swap3A, %swap3A_15] : memref<1000x1xf32, #tpu.memory_space<vmem>>, vector<1000x1xf32>
    tpu.vector_store %arg3[%swap3A, %swap3A_15], %rsqrt3A {strides = array<i32>} : memref<1000x1xf32, #tpu.memory_space<vmem>>, vector<1000x1xf32>,
    %get3A_17 = arith.constant 0 : index
    %get3A_18 = arith.constant 0 : index
    %get3A_19 = vector.load %arg2[%get3A_17, %get3A_18] : memref<1000x128xf32, #tpu.memory_space<vmem>>, vector<1000x128xf32>
    %mul3A_20 = vector.broadcast %rsqrt3A : vector<1000x1xf32> to vector<1000x128xf32>
    %mul3A_21 = arith.mulf %get3A_19, %mul3A_20 : vector<1000x128xf32>
    %swap3A_22 = arith.constant 0 : index
    %swap3A_23 = arith.constant 0 : index
    %swap3A_24 = vector.load %arg4[%swap3A_22, %swap3A_23] : memref<1000x128xf32, #tpu.memory_space<vmem>>, vector<1000x128xf32>
    tpu.vector_store %arg4[%swap3A_22, %swap3A_23], %mul3A_21 {strides = array<i32>} : memref<1000x128xf32, #tpu.memory_space<vmem>>, vector<1000x128xf32>,
    return
  }
  func.func @transform_0(%arg0: i32) -> (i32, i32, i32) {
    %c0_i32 = arith.constant 0 : i32
    %c0_i32_0 = arith.constant 0 : i32
    %c0_i32_1 = arith.constant 0 : i32
    return %c0_i32, %arg0, %c0_i32_0 : i32, i32, i32
  }
  func.func @transform_1(%arg0: i32) -> (i32, i32) {
    %c0_i32 = arith.constant 0 : i32
    %c0_i32_0 = arith.constant 0 : i32
    return %arg0, %c0_i32 : i32, i32
  }
  func.func @transform_2(%arg0: i32) -> (i32, i32) {
    %c0_i32 = arith.constant 0 : i32
    %c0_i32_0 = arith.constant 0 : i32
    return %arg0, %c0_i32 : i32, i32
  }
  func.func @transform_3(%arg0: i32) -> (i32, i32) {
    %c0_i32 = arith.constant 0 : i32
    %c0_i32_0 = arith.constant 0 : i32
    return %arg0, %c0_i32 : i32, i32
  }
}

module attributes {stable_mosaic.version = 14 : i64} {
  func.func @body(%arg0: i32, %arg1: memref<2x1000x128xf32, #tpu.memory_space<vmem>>, %arg2: memref<1000x128xf32, #tpu.memory_space<vmem>>, %arg3: memref<1000x1xf32, #tpu.memory_space<vmem>>, %arg4: memref<1x128xf32, #tpu.memory_space<vmem>>, %arg5: memref<128x128xf32, #tpu.memory_space<vmem>>, %arg6: memref<1000x128xf32, #tpu.memory_space<vmem>>) attributes {dimension_semantics = [#tpu.dimension_semantics<arbitrary>], iteration_bounds = array<i64: 10>, scalar_prefetch = 0 : i64, scratch_operands = 0 : i64, tpu.core_type = #tpu.core_type<tc>, window_params = [{transform_indices = @transform_0, window_bounds = array<i64: 2, 1000, 128>}, {transform_indices = @transform_1, window_bounds = array<i64: 1000, 128>}, {transform_indices = @transform_2, window_bounds = array<i64: 1000, 1>}, {pipeline_mode = #tpu.pipeline_mode<synchronous>, transform_indices = @transform_3, window_bounds = array<i64: 1, 128>}, {pipeline_mode = #tpu.pipeline_mode<synchronous>, transform_indices = @transform_4, window_bounds = array<i64: 128, 128>}, {transform_indices = @transform_5, window_bounds = array<i64: 1000, 128>}]} {
    %get3A = arith.constant 0 : index
    %get3A_0 = arith.constant 0 : index
    %get3A_1 = vector.load %arg3[%get3A, %get3A_0] : memref<1000x1xf32, #tpu.memory_space<vmem>>, vector<1000x1xf32>
    %get3A_2 = arith.constant 0 : index
    %get3A_3 = arith.constant 0 : index
    %get3A_4 = arith.constant 0 : index
    %get3A_5 = vector.load %arg1[%get3A_2, %get3A_3, %get3A_4] : memref<2x1000x128xf32, #tpu.memory_space<vmem>>, vector<1x1000x128xf32>
    %get3A_6 = vector.shape_cast %get3A_5 : vector<1x1000x128xf32> to vector<1000x128xf32>
    %get3A_7 = arith.constant 1 : index
    %get3A_8 = arith.constant 0 : index
    %get3A_9 = arith.constant 0 : index
    %get3A_10 = vector.load %arg1[%get3A_7, %get3A_8, %get3A_9] : memref<2x1000x128xf32, #tpu.memory_space<vmem>>, vector<1x1000x128xf32>
    %get3A_11 = vector.shape_cast %get3A_10 : vector<1x1000x128xf32> to vector<1000x128xf32>
    %add3A = arith.addf %get3A_6, %get3A_11 : vector<1000x128xf32>
    %get3A_12 = arith.constant 0 : index
    %get3A_13 = arith.constant 0 : index
    %get3A_14 = vector.load %arg2[%get3A_12, %get3A_13] : memref<1000x128xf32, #tpu.memory_space<vmem>>, vector<1000x128xf32>
    %add3A_15 = arith.addf %add3A, %get3A_14 : vector<1000x128xf32>
    %mul3A = vector.broadcast %get3A_1 : vector<1000x1xf32> to vector<1000x128xf32>
    %mul3A_16 = arith.mulf %add3A_15, %mul3A : vector<1000x128xf32>
    %get3A_17 = arith.constant 0 : index
    %get3A_18 = arith.constant 0 : index
    %get3A_19 = vector.load %arg4[%get3A_17, %get3A_18] : memref<1x128xf32, #tpu.memory_space<vmem>>, vector<1x128xf32>
    %add3A_20 = vector.broadcast %get3A_19 : vector<1x128xf32> to vector<1000x128xf32>
    %add3A_21 = arith.addf %mul3A_16, %add3A_20 : vector<1000x128xf32>
    %max3A = arith.constant 0.000000e+00 : f32
    %max3A_22 = vector.broadcast %max3A : f32 to vector<1000x128xf32>
    %max3A_23 = arith.maximumf %add3A_21, %max3A_22 : vector<1000x128xf32>
    %get3A_24 = arith.constant 0 : index
    %get3A_25 = arith.constant 0 : index
    %get3A_26 = vector.load %arg5[%get3A_24, %get3A_25] : memref<128x128xf32, #tpu.memory_space<vmem>>, vector<128x128xf32>
    %dot_general3A = arith.constant dense<0.000000e+00> : vector<1000x128xf32>
    %dot_general3A_27 = tpu.matmul %max3A_23, %get3A_26, %dot_general3A {dimension_numbers = #tpu.dot_dimension_numbers<[1], [0], [0], [1], [0, 0, 1, 1], [], []>, transpose_lhs_hint = false} : vector<1000x128xf32>, vector<128x128xf32>, vector<1000x128xf32> -> vector<1000x128xf32>
    %mul3A_28 = vector.broadcast %get3A_1 : vector<1000x1xf32> to vector<1000x128xf32>
    %mul3A_29 = arith.mulf %dot_general3A_27, %mul3A_28 : vector<1000x128xf32>
    %swap3A = arith.constant 0 : index
    %swap3A_30 = arith.constant 0 : index
    %swap3A_31 = vector.load %arg6[%swap3A, %swap3A_30] : memref<1000x128xf32, #tpu.memory_space<vmem>>, vector<1000x128xf32>
    tpu.vector_store %arg6[%swap3A, %swap3A_30], %mul3A_29 {strides = array<i32>} : memref<1000x128xf32, #tpu.memory_space<vmem>>, vector<1000x128xf32>,
    return
  }
  func.func @transform_0(%arg0: i32) -> (i32, i32, i32) {
    %c0_i32 = arith.constant 0 : i32
    %c0_i32_0 = arith.constant 0 : i32
    %c0_i32_1 = arith.constant 0 : i32
    return %c0_i32, %arg0, %c0_i32_0 : i32, i32, i32
  }
  func.func @transform_1(%arg0: i32) -> (i32, i32) {
    %c0_i32 = arith.constant 0 : i32
    %c0_i32_0 = arith.constant 0 : i32
    return %arg0, %c0_i32 : i32, i32
  }
  func.func @transform_2(%arg0: i32) -> (i32, i32) {
    %c0_i32 = arith.constant 0 : i32
    %c0_i32_0 = arith.constant 0 : i32
    return %arg0, %c0_i32 : i32, i32
  }
  func.func @transform_3(%arg0: i32) -> (i32, i32) {
    %c0_i32 = arith.constant 0 : i32
    %c0_i32_0 = arith.constant 0 : i32
    %c0_i32_1 = arith.constant 0 : i32
    return %c0_i32, %c0_i32_0 : i32, i32
  }
  func.func @transform_4(%arg0: i32) -> (i32, i32) {
    %c0_i32 = arith.constant 0 : i32
    %c0_i32_0 = arith.constant 0 : i32
    %c0_i32_1 = arith.constant 0 : i32
    return %c0_i32, %c0_i32_0 : i32, i32
  }
  func.func @transform_5(%arg0: i32) -> (i32, i32) {
    %c0_i32 = arith.constant 0 : i32
    %c0_i32_0 = arith.constant 0 : i32
    return %arg0, %c0_i32 : i32, i32
  }
}

module attributes {stable_mosaic.version = 14 : i64} {
  func.func @body(%arg0: i32, %arg1: memref<2x1000x128xf32, #tpu.memory_space<vmem>>, %arg2: memref<1000x128xf32, #tpu.memory_space<vmem>>, %arg3: memref<1000x1xf32, #tpu.memory_space<vmem>>, %arg4: memref<1x128xf32, #tpu.memory_space<vmem>>, %arg5: memref<1000x1xi32, #tpu.memory_space<vmem>>, %arg6: memref<128x64xf32, #tpu.memory_space<vmem>>, %arg7: memref<1x64xf32, #tpu.memory_space<vmem>>, %arg8: memref<64x64xf32, #tpu.memory_space<vmem>>, %arg9: memref<64x128xf32, #tpu.memory_space<vmem>>, %arg10: memref<64x128xf32, #tpu.memory_space<vmem>>) attributes {dimension_semantics = [#tpu.dimension_semantics<arbitrary>], iteration_bounds = array<i64: 10>, scalar_prefetch = 0 : i64, scratch_operands = 2 : i64, tpu.core_type = #tpu.core_type<tc>, window_params = [{transform_indices = @transform_0, window_bounds = array<i64: 2, 1000, 128>}, {transform_indices = @transform_1, window_bounds = array<i64: 1000, 128>}, {transform_indices = @transform_2, window_bounds = array<i64: 1000, 1>}, {pipeline_mode = #tpu.pipeline_mode<synchronous>, transform_indices = @transform_3, window_bounds = array<i64: 1, 128>}, {transform_indices = @transform_4, window_bounds = array<i64: 1000, 1>}, {pipeline_mode = #tpu.pipeline_mode<synchronous>, transform_indices = @transform_5, window_bounds = array<i64: 128, 64>}, {pipeline_mode = #tpu.pipeline_mode<synchronous>, transform_indices = @transform_6, window_bounds = array<i64: 1, 64>}, {pipeline_mode = #tpu.pipeline_mode<synchronous>, transform_indices = @transform_7, window_bounds = array<i64: 64, 64>}]} {
    %eq3A = arith.constant 0 : i32
    %eq3A_0 = arith.cmpi eq, %arg0, %eq3A : i32
    %convert_element_type3A = arith.extui %eq3A_0 : i1 to i32
    %cond3A = arith.constant 0 : i32
    %cond3A_1 = arith.cmpi ne, %convert_element_type3A, %cond3A : i32
    scf.if %cond3A_1 {
      %broadcast_in_dim3A_53 = arith.constant 0.000000e+00 : f32
      %broadcast_in_dim3A_54 = vector.broadcast %broadcast_in_dim3A_53 : f32 to vector<64x128xf32>
      %swap3A_55 = arith.constant 0 : index
      %swap3A_56 = arith.constant 0 : index
      %swap3A_57 = vector.load %arg9[%swap3A_55, %swap3A_56] : memref<64x128xf32, #tpu.memory_space<vmem>>, vector<64x128xf32>
      tpu.vector_store %arg9[%swap3A_55, %swap3A_56], %broadcast_in_dim3A_54 {strides = array<i32>} : memref<64x128xf32, #tpu.memory_space<vmem>>, vector<64x128xf32>,
      %broadcast_in_dim3A_58 = arith.constant 0.000000e+00 : f32
      %broadcast_in_dim3A_59 = vector.broadcast %broadcast_in_dim3A_58 : f32 to vector<64x128xf32>
      %swap3A_60 = arith.constant 0 : index
      %swap3A_61 = arith.constant 0 : index
      %swap3A_62 = vector.load %arg10[%swap3A_60, %swap3A_61] : memref<64x128xf32, #tpu.memory_space<vmem>>, vector<64x128xf32>
      tpu.vector_store %arg10[%swap3A_60, %swap3A_61], %broadcast_in_dim3A_59 {strides = array<i32>} : memref<64x128xf32, #tpu.memory_space<vmem>>, vector<64x128xf32>,
    } else {
    }
    %get3A = arith.constant 0 : index
    %get3A_2 = arith.constant 0 : index
    %get3A_3 = arith.constant 0 : index
    %get3A_4 = vector.load %arg1[%get3A, %get3A_2, %get3A_3] : memref<2x1000x128xf32, #tpu.memory_space<vmem>>, vector<1x1000x128xf32>
    %get3A_5 = vector.shape_cast %get3A_4 : vector<1x1000x128xf32> to vector<1000x128xf32>
    %get3A_6 = arith.constant 1 : index
    %get3A_7 = arith.constant 0 : index
    %get3A_8 = arith.constant 0 : index
    %get3A_9 = vector.load %arg1[%get3A_6, %get3A_7, %get3A_8] : memref<2x1000x128xf32, #tpu.memory_space<vmem>>, vector<1x1000x128xf32>
    %get3A_10 = vector.shape_cast %get3A_9 : vector<1x1000x128xf32> to vector<1000x128xf32>
    %add3A = arith.addf %get3A_5, %get3A_10 : vector<1000x128xf32>
    %get3A_11 = arith.constant 0 : index
    %get3A_12 = arith.constant 0 : index
    %get3A_13 = vector.load %arg2[%get3A_11, %get3A_12] : memref<1000x128xf32, #tpu.memory_space<vmem>>, vector<1000x128xf32>
    %add3A_14 = arith.addf %add3A, %get3A_13 : vector<1000x128xf32>
    %get3A_15 = arith.constant 0 : index
    %get3A_16 = arith.constant 0 : index
    %get3A_17 = vector.load %arg3[%get3A_15, %get3A_16] : memref<1000x1xf32, #tpu.memory_space<vmem>>, vector<1000x1xf32>
    %mul3A = vector.broadcast %get3A_17 : vector<1000x1xf32> to vector<1000x128xf32>
    %mul3A_18 = arith.mulf %add3A_14, %mul3A : vector<1000x128xf32>
    %get3A_19 = arith.constant 0 : index
    %get3A_20 = arith.constant 0 : index
    %get3A_21 = vector.load %arg4[%get3A_19, %get3A_20] : memref<1x128xf32, #tpu.memory_space<vmem>>, vector<1x128xf32>
    %add3A_22 = vector.broadcast %get3A_21 : vector<1x128xf32> to vector<1000x128xf32>
    %add3A_23 = arith.addf %mul3A_18, %add3A_22 : vector<1000x128xf32>
    %get3A_24 = arith.constant 0 : index
    %get3A_25 = arith.constant 0 : index
    %get3A_26 = vector.load %arg5[%get3A_24, %get3A_25] : memref<1000x1xi32, #tpu.memory_space<vmem>>, vector<1000x1xi32>
    %iota3A = tpu.iota {dimensions = array<i32: 1>} : vector<1000x64xi32>
    %eq3A_27 = vector.broadcast %get3A_26 : vector<1000x1xi32> to vector<1000x64xi32>
    %eq3A_28 = arith.cmpi eq, %eq3A_27, %iota3A : vector<1000x64xi32>
    %convert_element_type3A_29 = arith.extui %eq3A_28 : vector<1000x64xi1> to vector<1000x64xi32>
    %convert_element_type3A_30 = arith.sitofp %convert_element_type3A_29 : vector<1000x64xi32> to vector<1000x64xf32>
    %get3A_31 = arith.constant 0 : index
    %get3A_32 = arith.constant 0 : index
    %get3A_33 = vector.load %arg9[%get3A_31, %get3A_32] : memref<64x128xf32, #tpu.memory_space<vmem>>, vector<64x128xf32>
    %dot_general3A = arith.constant dense<0.000000e+00> : vector<64x128xf32>
    %dot_general3A_34 = tpu.matmul %convert_element_type3A_30, %add3A_23, %dot_general3A {dimension_numbers = #tpu.dot_dimension_numbers<[0], [0], [1], [1], [0, 1, 1, 1], [], []>, transpose_lhs_hint = false} : vector<1000x64xf32>, vector<1000x128xf32>, vector<64x128xf32> -> vector<64x128xf32>
    %add3A_35 = arith.addf %get3A_33, %dot_general3A_34 : vector<64x128xf32>
    %swap3A = arith.constant 0 : index
    %swap3A_36 = arith.constant 0 : index
    %swap3A_37 = vector.load %arg9[%swap3A, %swap3A_36] : memref<64x128xf32, #tpu.memory_space<vmem>>, vector<64x128xf32>
    tpu.vector_store %arg9[%swap3A, %swap3A_36], %add3A_35 {strides = array<i32>} : memref<64x128xf32, #tpu.memory_space<vmem>>, vector<64x128xf32>,
    %get3A_38 = arith.constant 0 : index
    %get3A_39 = arith.constant 0 : index
    %get3A_40 = vector.load %arg10[%get3A_38, %get3A_39] : memref<64x128xf32, #tpu.memory_space<vmem>>, vector<64x128xf32>
    %broadcast_in_dim3A = arith.constant 1.000000e+00 : f32
    %broadcast_in_dim3A_41 = vector.broadcast %broadcast_in_dim3A : f32 to vector<1000x128xf32>
    %dot_general3A_42 = arith.constant dense<0.000000e+00> : vector<64x128xf32>
    %dot_general3A_43 = tpu.matmul %convert_element_type3A_30, %broadcast_in_dim3A_41, %dot_general3A_42 {dimension_numbers = #tpu.dot_dimension_numbers<[0], [0], [1], [1], [0, 1, 1, 1], [], []>, transpose_lhs_hint = false} : vector<1000x64xf32>, vector<1000x128xf32>, vector<64x128xf32> -> vector<64x128xf32>
    %add3A_44 = arith.addf %get3A_40, %dot_general3A_43 : vector<64x128xf32>
    %swap3A_45 = arith.constant 0 : index
    %swap3A_46 = arith.constant 0 : index
    %swap3A_47 = vector.load %arg10[%swap3A_45, %swap3A_46] : memref<64x128xf32, #tpu.memory_space<vmem>>, vector<64x128xf32>
    tpu.vector_store %arg10[%swap3A_45, %swap3A_46], %add3A_44 {strides = array<i32>} : memref<64x128xf32, #tpu.memory_space<vmem>>, vector<64x128xf32>,
    %eq3A_48 = arith.constant 9 : i32
    %eq3A_49 = arith.cmpi eq, %arg0, %eq3A_48 : i32
    %convert_element_type3A_50 = arith.extui %eq3A_49 : i1 to i32
    %cond3A_51 = arith.constant 0 : i32
    %cond3A_52 = arith.cmpi ne, %convert_element_type3A_50, %cond3A_51 : i32
    scf.if %cond3A_52 {
      %get3A_53 = arith.constant 0 : index
      %get3A_54 = arith.constant 0 : index
      %get3A_55 = vector.load %arg9[%get3A_53, %get3A_54] : memref<64x128xf32, #tpu.memory_space<vmem>>, vector<64x128xf32>
      %get3A_56 = arith.constant 0 : index
      %get3A_57 = arith.constant 0 : index
      %get3A_58 = vector.load %arg10[%get3A_56, %get3A_57] : memref<64x128xf32, #tpu.memory_space<vmem>>, vector<64x128xf32>
      %max3A = arith.constant 1.000000e+00 : f32
      %max3A_59 = vector.broadcast %max3A : f32 to vector<64x128xf32>
      %max3A_60 = arith.maximumf %get3A_58, %max3A_59 : vector<64x128xf32>
      %div3A = arith.divf %get3A_55, %max3A_60 : vector<64x128xf32>
      %get3A_61 = arith.constant 0 : index
      %get3A_62 = arith.constant 0 : index
      %get3A_63 = vector.load %arg6[%get3A_61, %get3A_62] : memref<128x64xf32, #tpu.memory_space<vmem>>, vector<128x64xf32>
      %dot_general3A_64 = arith.constant dense<0.000000e+00> : vector<64x64xf32>
      %dot_general3A_65 = tpu.matmul %div3A, %get3A_63, %dot_general3A_64 {dimension_numbers = #tpu.dot_dimension_numbers<[1], [0], [0], [1], [0, 0, 1, 1], [], []>, transpose_lhs_hint = false} : vector<64x128xf32>, vector<128x64xf32>, vector<64x64xf32> -> vector<64x64xf32>
      %get3A_66 = arith.constant 0 : index
      %get3A_67 = arith.constant 0 : index
      %get3A_68 = vector.load %arg7[%get3A_66, %get3A_67] : memref<1x64xf32, #tpu.memory_space<vmem>>, vector<1x64xf32>
      %add3A_69 = vector.broadcast %get3A_68 : vector<1x64xf32> to vector<64x64xf32>
      %add3A_70 = arith.addf %dot_general3A_65, %add3A_69 : vector<64x64xf32>
      %swap3A_71 = arith.constant 0 : index
      %swap3A_72 = arith.constant 0 : index
      %swap3A_73 = vector.load %arg8[%swap3A_71, %swap3A_72] : memref<64x64xf32, #tpu.memory_space<vmem>>, vector<64x64xf32>
      tpu.vector_store %arg8[%swap3A_71, %swap3A_72], %add3A_70 {strides = array<i32>} : memref<64x64xf32, #tpu.memory_space<vmem>>, vector<64x64xf32>,
    } else {
    }
    return
  }
  func.func @transform_0(%arg0: i32) -> (i32, i32, i32) {
    %c0_i32 = arith.constant 0 : i32
    %c0_i32_0 = arith.constant 0 : i32
    %c0_i32_1 = arith.constant 0 : i32
    return %c0_i32, %arg0, %c0_i32_0 : i32, i32, i32
  }
  func.func @transform_1(%arg0: i32) -> (i32, i32) {
    %c0_i32 = arith.constant 0 : i32
    %c0_i32_0 = arith.constant 0 : i32
    return %arg0, %c0_i32 : i32, i32
  }
  func.func @transform_2(%arg0: i32) -> (i32, i32) {
    %c0_i32 = arith.constant 0 : i32
    %c0_i32_0 = arith.constant 0 : i32
    return %arg0, %c0_i32 : i32, i32
  }
  func.func @transform_3(%arg0: i32) -> (i32, i32) {
    %c0_i32 = arith.constant 0 : i32
    %c0_i32_0 = arith.constant 0 : i32
    %c0_i32_1 = arith.constant 0 : i32
    return %c0_i32, %c0_i32_0 : i32, i32
  }
  func.func @transform_4(%arg0: i32) -> (i32, i32) {
    %c0_i32 = arith.constant 0 : i32
    %c0_i32_0 = arith.constant 0 : i32
    return %arg0, %c0_i32 : i32, i32
  }
  func.func @transform_5(%arg0: i32) -> (i32, i32) {
    %c0_i32 = arith.constant 0 : i32
    %c0_i32_0 = arith.constant 0 : i32
    %c0_i32_1 = arith.constant 0 : i32
    return %c0_i32, %c0_i32_0 : i32, i32
  }
  func.func @transform_6(%arg0: i32) -> (i32, i32) {
    %c0_i32 = arith.constant 0 : i32
    %c0_i32_0 = arith.constant 0 : i32
    %c0_i32_1 = arith.constant 0 : i32
    return %c0_i32, %c0_i32_0 : i32, i32
  }
  func.func @transform_7(%arg0: i32) -> (i32, i32) {
    %c0_i32 = arith.constant 0 : i32
    %c0_i32_0 = arith.constant 0 : i32
    %c0_i32_1 = arith.constant 0 : i32
    return %c0_i32, %c0_i32_0 : i32, i32
  }
}

</mosaic_0001>

<sc_bundles>
// kernel: kernel.12.cloned.1.call-start
scs
__scs_entry_jumppad:
0x0: {  	(pc) =	sbr.rel $0x88, $3  }
0x1: {  	(tag) =	ssettag $0x0;
	lr =	simm.s32 $0x1  }
0x2: {  	[smem:$0x3F98] =	sst lr;
	_ =	strace $0xD0000000  }
0x3: {  	_ = 	snop  }
0x4: {  	_ = 	snop  }
0x5: {  	_ = 	snop  }
0x6: {  	_ = 	snop  }
0x7: {  	_ = 	snop  }
__scs_overlays_trampoline_lowered:
0x8: {  	[smem:$0x3FA7] =	sst s0  }
0x9: {  	[smem:$0x3FA8] =	sst s1  }
0xa: {  	[smem:$0x3FA9] =	sst s2  }
0xb: {  	[smem:$0x3FAA] =	sst s3  }
0xc: {  	[smem:$0x3FAB] =	sst s4  }
0xd: {  	[smem:$0x3FAC] =	sst s5  }
0xe: {  	[smem:$0x3FAD] =	sst s6  }
0xf: {  	[smem:$0x3FAE] =	sst s7  }
0x10: {  	[smem:$0x3FAF] =	sst s8  }
0x11: {  	[smem:$0x3FB0] =	sst s9;
	s0 =	simm.s32 @!p0 $0x0  }
0x12: {  	s1 =	sld [smem:$0x3F96];
	s0 =	simm.s32 @p0 $0x1  }
0x13: {  	[smem:$0x3FB1] =	sst s0;
	s0 =	simm.s32 @!p1 $0x0  }
0x14: {  	s2 =	sld [smem:$0x3F95];
	s0 =	simm.s32 @p1 $0x1  }
0x15: {  	[smem:$0x3FB2] =	sst s0;
	s0 =	simm.s32 @!p2 $0x0  }
0x16: {  	s3 =	sld [smem:$0x3FDB];
	s0 =	simm.s32 @p2 $0x1  }
0x17: {  	s4 =	simm.s32 $0x1BF5;
	[smem:$0x3FB4] =	sst s0  }
0x18: {  	s0 =	sld [smem:$0x3F97];
	_ =	swait.ge [sflag:s4], $0x0  }
0x19: {  	s7 =	sld [smem:$0x3F98]  }
0x1a: {  	s8 =	sadd.s32 $0xFFFFE003, lr  }
0x1b: {  	s9 =	sadd.s32 $0xFFFFFEF7, lr;
	s5 =	simm.s32 $0xFFFFFFFF;
	p2 =	slt.u32 s8, $0xFFFFF086  }
0x1c: {  	p1 =	slt.u32 s9, $0xF7A;
	s5 =	simm.s32 @!p2 $0x0  }
0x1d: {  	s5 =	simm.s32 @p1 $0x1;
	p0 =	seq.s32 s7, s2  }
0x1e: {  	s7 =	smul.u32 @!p0 $0xF7A, s2;
	p2 =	seq.s32 @!p0 s5, $0x0  }
0x1f: {  	s9 =	smul.u32 $0xF7A, s1;
	s8 =	simm.s32 @!p0 $0x1BF5;
	p2 =	por !p2, p0  }
0x20: {  	[sflag:s8] =	ssyncset.s32 @!p0 $0xFFFFF086;
	s6 =	sadd.s32 @!p0 s3, s7;
	s7 =	simm.s32 @!p0 $0x108  }
0x21: {  	s3 =	sadd.s32 s3, s9;
	s6 =	sadd.s32 @!p0 $0x88, s6;
	s7 =	simm.s32 @p2 $0x1082  }
0x22: {  	[simem:s7], [sflag:s8] =	dma.local @!p0 [hbm:s6], $0xF7A  }
0x23: {  	s9 =	sor.u32 $0xD0000000, s2;
	s6 =	simm.s32 $0x108;
	_ =	swait.ge @!p0 [sflag:s8], $0x0  }
0x24: {  	s3 =	sadd.s32 $0x88, s3;
	s6 =	simm.s32 @!p1 $0x1082;
	[sflag:s4] =	ssyncset.s32 $0xFFFFF086  }
0x25: {  	[simem:s6], [sflag:s4] =	dma.local [hbm:s3], $0xF7A  }
0x26: {  	[smem:$0x3F98] =	sst s1;
	(tag) =	ssettag s2;
	_ =	strace s9  }
0x27: {  	s1 =	sld [smem:$0x3FA8]  }
0x28: {  	s2 =	sld [smem:$0x3FA9]  }
0x29: {  	s4 =	sld [smem:$0x3FAB]  }
0x2a: {  	p0 =	seq.s32 s5, $0x0;
	s5 =	sld [smem:$0x3FAC]  }
0x2b: {  	s6 =	sld [smem:$0x3FAD]  }
0x2c: {  	s7 =	sld [smem:$0x3FAE]  }
0x2d: {  	s3 =	simm.s32 $0x108;
	s8 =	sld [smem:$0x3FAF]  }
0x2e: {  	s3 =	simm.s32 @!p0 $0x1082;
	s9 =	sld [smem:$0x3FB0]  }
0x2f: {  	lr =	sadd.s32 s0, s3;
	s0 =	sld [smem:$0x3FA7]  }
0x30: {  	s3 =	sld [smem:$0x3FAA]  }
0x31: {  	[smem:$0x3FB3] =	sst s10  }
0x32: {  	s10 =	sld [smem:$0x3FB1];
	_ =	sdelay $0x3  }
0x33: {  	p0 =	seq.s32 s10, $0x1;
	s10 =	sld [smem:$0x3FB3];
	_ =	sdelay $0x3  }
0x34: {  	[smem:$0x3FB3] =	sst s10  }
0x35: {  	s10 =	sld [smem:$0x3FB2];
	_ =	sdelay $0x3  }
0x36: {  	p1 =	seq.s32 s10, $0x1;
	s10 =	sld [smem:$0x3FB3];
	_ =	sdelay $0x3  }
0x37: {  	[smem:$0x3FB3] =	sst s10  }
0x38: {  	s10 =	sld [smem:$0x3FB4]  }
0x39: {  	_ = 	snop;
	(pc) =	sbr.ind lr, $3  }
0x3a: {  	_ = 	snop  }
0x3b: {  	_ = 	snop  }
0x3c: {  	p2 =	seq.s32 s10, $0x1;
	s10 =	sld [smem:$0x3FB3]  }
0x3d: {  	_ =	shalt  }
0x3e: {  	_ =	shalt  }
0x3f: {  	_ =	shalt  }
0x40: {  	_ =	shalt  }
0x41: {  	_ =	shalt  }
0x42: {  	_ =	shalt  }
0x43: {  	_ =	shalt  }
0x44: {  	_ =	shalt  }
0x45: {  	_ =	shalt  }
0x46: {  	_ =	shalt  }
0x47: {  	_ =	shalt  }
0x48: {  	_ =	shalt  }
0x49: {  	_ =	shalt  }
0x4a: {  	_ =	shalt  }
0x4b: {  	_ =	shalt  }
0x4c: {  	_ =	shalt  }
0x4d: {  	_ =	shalt  }
0x4e: {  	_ =	shalt  }
0x4f: {  	_ =	shalt  }
0x50: {  	_ =	shalt  }
0x51: {  	_ =	shalt  }
0x52: {  	_ =	shalt  }
0x53: {  	_ =	shalt  }
0x54: {  	_ =	shalt  }
0x55: {  	_ =	shalt  }
0x56: {  	_ =	shalt  }
0x57: {  	_ =	shalt  }
0x58: {  	_ =	shalt  }
0x59: {  	_ =	shalt  }
0x5a: {  	_ =	shalt  }
0x5b: {  	_ =	shalt  }
0x5c: {  	_ =	shalt  }
0x5d: {  	_ =	shalt  }
0x5e: {  	_ =	shalt  }
0x5f: {  	_ =	shalt  }
0x60: {  	_ =	shalt  }
0x61: {  	_ =	shalt  }
0x62: {  	_ =	shalt  }
0x63: {  	_ =	shalt  }
0x64: {  	_ =	shalt  }
0x65: {  	_ =	shalt  }
0x66: {  	_ =	shalt  }
0x67: {  	_ =	shalt  }
0x68: {  	_ =	shalt  }
0x69: {  	_ =	shalt  }
0x6a: {  	_ =	shalt  }
0x6b: {  	_ =	shalt  }
0x6c: {  	_ =	shalt  }
0x6d: {  	_ =	shalt  }
0x6e: {  	_ =	shalt  }
0x6f: {  	_ =	shalt  }
0x70: {  	_ =	shalt  }
0x71: {  	_ =	shalt  }
0x72: {  	_ =	shalt  }
0x73: {  	_ =	shalt  }
0x74: {  	_ =	shalt  }
0x75: {  	_ =	shalt  }
0x76: {  	_ =	shalt  }
0x77: {  	_ =	shalt  }
0x78: {  	_ =	shalt  }
0x79: {  	_ =	shalt  }
0x7a: {  	_ =	shalt  }
0x7b: {  	_ =	shalt  }
0x7c: {  	_ =	shalt  }
0x7d: {  	_ =	shalt  }
0x7e: {  	_ =	shalt  }
0x7f: {  	_ =	shalt  }
0x80: {  	_ =	shalt  }
0x81: {  	_ =	shalt  }
0x82: {  	_ =	shalt  }
0x83: {  	_ =	shalt  }
0x84: {  	_ =	shalt  }
0x85: {  	_ =	shalt  }
0x86: {  	_ =	shalt  }
0x87: {  	_ =	shalt  }
.Lfunc_end0:
.L_simem_size_0:
called_computation.1_lowered:
.L_overlay_start_0:
0x88: {  	s2 =	sld [smem:$0x3FD9]  }
0x89: {  	s3 =	sld [smem:$0x3FFE];
	_ =	sdelay $0x1  }
0x8a: {  	s1 =	srdreg.scid  }
0x8b: {  	s0 =	sand.u32 $0x1, s1  }
0x8c: {  	s16 =	sshll.u32 s0, $0xA;
	s2 =	sadd.s32 s3, s2  }
0x8d: {  	s2 =	sadd.s32 s2, s16  }
0x8e: {  	[smem:$0x3FBF] =	sst s2  }
0x8f: {  	_ = 	snop  }
0x90: {  	(tm) =	ssettm $0x1  }
0x91: {  	s17 =	sld [smem:$0x3FFB];
	_ =	sdelay $0x3  }
0x92: {  	_ =	strace s17  }
0x93: {  	s2 =	sld [smem:$0x3FFC];
	_ =	sdelay $0x3  }
0x94: {  	_ =	strace s2  }
0x95: {  	s2 =	sld [smem:$0x3FFD];
	_ =	sdelay $0x3  }
0x96: {  	_ =	strace s2  }
0x97: {  	_ =	strace $0x8FFFFFFF  }
0x98: {  	s18 =	sld [smem:$0x3FDB];
	_ =	sdelay $0x1  }
0x99: {  	s19 =	simm.s32 $_scs_section_size  }
0x9a: {  	s4 =	simm.s32 $_size__tile_overlayer_lowered;
	s5 =	simm.s32 $_tile_overlayer_lowered  }
0x9b: {  	s22 =	simm.s32 $0x1BFF;
	s21 =	sshll.u32 s5, $0x1;
	s2 =	sadd.s32 s19, s18  }
0x9c: {  	s6 =	simm.s32 $0x0;
	s20 =	sshll.u32 s4, $0x1;
	s4 =	sadd.s32 s21, s2  }
0x9d: {  	[timem:s6], [sflag:s22] =	dma.local [hbm:s4], s20  }
0x9e: {  	_ =	swait.ge [sflag:s22], s20  }
0x9f: {  	s3 =	ssub.s32 $0x0, s20;
	[sflag:s22] =	ssyncset.done $0x0  }
0xa0: {  	[sflag:s22] =	ssyncadd.s32 s3;
	_ =	sdelay $0x1  }
0xa1: {  	s23 =	simm.s32 $0x1B8B  }
0xa2: {  	_ =	swait.ge [sflag:s23], $0x1  }
0xa3: {  	[sflag:s23] =	ssyncset.done $0x0  }
0xa4: {  	s25 =	simm.s32 $0x1B8E;
	s24 =	sld [smem:$0x3FFE];
	[sflag:s23] =	ssyncadd.s32 $0xFFFFFFFF  }
0xa5: {  	s26 =	simm.s32 $execute0_lowered;
	[smem:$0x3FD2] =	sst s25  }
0xa6: {  	s4 =	sshll.u32 s26, $0x1;
	_ =	strace $0x80000049;
	[dreg:$0x1] =	wrdreg $0xFFFFFFFF  }
0xa7: {  	s28 =	simm.s32 $_size_execute0_lowered;
	s2 =	sadd.s32 s2, s4;
	[dreg:$0x0] =	wrdreg $0x0  }
0xa8: {  	s4 =	sshll.u32 s28, $0x1;
	[dreg:$0x2] =	wrdreg s2  }
0xa9: {  	[dreg:$0x3] =	wrdreg s4  }
0xaa: {  	[dreg:$0x4] =	wrdreg $0xC0  }
0xab: {  	_ =	task [dreg:s6], $0x5FFFF  }
0xac: {  	[dreg:$0x1] =	wrdreg $0xFFFFFFFF  }
0xad: {  	[dreg:$0x0] =	wrdreg $0x60  }
0xae: {  	[dreg:$0x2] =	wrdreg s24  }
0xaf: {  	[dreg:$0x3] =	wrdreg $0xA8000  }
0xb0: {  	[dreg:$0x4] =	wrdreg $0x9  }
0xb1: {  	_ =	task.clear_ibuf [dreg:s6], $0x5FFFF;
	_ =	strace $0x90000049  }
0xb2: {  	s29 =	simm.s32 $0x9;
	_ =	strace $0x8000004B  }
0xb3: {  	_ =	swait.ge [sflag:s29], $0x1  }
0xb4: {  	[sflag:s29] =	ssyncadd.s32 $0xFFFFFFFF  }
0xb5: {  	_ =	strace $0x9000004B  }
0xb6: {  	_ =	sfence  }
0xb7: {  	s30 =	sld [smem:$0x0];
	_ =	sdelay $0x2  }
0xb8: {  	s31 =	sshll.u32 s1, $0xD;
	s1 =	sshrl.u32 s1, $0x2  }
0xb9: {  	s3 =	sand.u32 $0x4000, s31;
	s1 =	sadd.s32 s1, s30  }
0xba: {  	s0 =	sor.u32 s3, s0;
	s1 =	sshll.u32 s1, $0x11  }
0xbb: {  	s0 =	sor.u32 s1, s0  }
0xbc: {  	s0 =	sadd.s32 $0x8F2B, s0  }
0xbd: {  	[sflag:s0] =	ssyncadd.remote.s32 $0x1  }
0xbe: {  	_ =	sfence.sel $0xFFFF  }
0xbf: {  	[dreg:$0x0] =	wrdreg $0xFFFFFFFF;
	(pc) =	sbr.abs _section_cstart, $3  }
0xc0: {  	[dreg:$0x1] =	wrdreg $0xFFFFFFFF  }
0xc1: {  	_ =	task.clear_ibuf [dreg:s6], $0x2FFFF;
	_ =	strace $0x9FFFFFFF  }
0xc2: {  	(tm) =	ssettm $0x7FFFFFFF  }
0xc3: {  	_ =	shalt  }
tec
execute0_lowered:
.L_overlay_start_1:
0x0: {  	(tag) =	ssettag $0x1  }
0x1: {  	s6 =	rddreg [dreg:$0x0]  }
0x2: {  	s1 =	rddreg [dreg:$0x1]  }
0x3: {  	s2 =	srdreg.scid;
	s0 =	rddreg [dreg:$0x2]  }
0x4: {  	s3 =	simm.s32 $0x0;
	s15 =	simm.s32 $0x1400;
	s16 =	simm.s32 $0x7D  }
0x5: {  	s17 =	simm.s32 $0x2800;
	s18 =	simm.s32 $0x6800;
	s19 =	simm.s32 $0x1  }
0x6: {  	s20 =	simm.s32 $0x2;
	s21 =	simm.s32 $0x1380;
	s22 =	simm.s32 $0x2700  }
0x7: {  	s5 =	sand.u32 $0x1, s2;
	s2 =	stileid.u32;
	[smem:$0x7FF] =	sst s3  }
0x8: {  	s9 =	sadd.s32 $0x5FA00, s6;
	s10 =	sadd.s32 $0x2A00, s6;
	s7 =	smul.u32 $0x140000, s5  }
0x9: {  	s4 =	sadd.s32 $0xF200, s6;
	s8 =	smul.u32 $0x14000, s2;
	_ =	strace $0x8000004A  }
0xa: {  	s23 =	sshll.u32 s5, $0x4;
	s11 =	ssub.s32 $0x2, s5;
	s25 =	smul.u32 $0x50000, s2  }
0xb: {  	s5 =	sadd.s32 $0xCA00, s6;
	s28 =	sshll.u32 s2, $0x6;
	s24 =	sor.u32 s2, s23  }
0xc: {  	s12 =	sshrl.u32 s11, $0x1;
	s23 =	simm.s32 $0x2780;
	s7 =	sadd.s32 s8, s7  }
0xd: {  	s13 =	smul.u32 $0x2800, s24;
	s12 =	ssub.s32 s11, s12;
	s26 =	sshrl.u32 s25, $0x2  }
0xe: {  	s24 =	simm.s32 $0x0;
	s7 =	sshrl.u32 s7, $0x3;
	s30 =	sadd.s32 s26, s1  }
0xf: {  	s12 =	smax.u32 s12, $0x1;
	s14 =	sadd.s32 s7, s6;
	s29 =	sshrl.u32 s13, $0x3  }
0x10: {  	s6 =	sor.u32 $0x1C03, s28;
	s13 =	sshrl.u32 s30, $0x3;
	s31 =	sadd.s32 $0x280, s29  }
0x11: {  	s7 =	sadd.s32 s9, s29;
	s8 =	sadd.s32 s10, s29;
	s11 =	sadd.s32 $0x69A00, s14  }
0x12: {  	s14 =	simm.s32 $0x3;
	s9 =	sadd.s32 s9, s31;
	s10 =	sadd.s32 s10, s31  }
.LBB2_1:
0x13: {  	[spmem:s13], [sflag:s6] =	dma.local [hbm:s5], $0x2800  }
0x14: {  	_ =	swait.ge [sflag:s14], $0x2800  }
0x15: {  	[sflag:s14] =	ssyncset.done $0x0  }
0x16: {  	[sflag:s14] =	ssyncadd.s32 $0xFFFFD800  }
0x17: {  	[bflag:$0x0] =	sbarrier.arrive $0xFFFF  }
0x18: {  	[tilespmem:s3], [sflag:$0x3] =	stream.linear.gather [hbm4b:s7+s3], $0x1400, $0x38;
	[tilespmem:$0x1E800] =	vst v63  }
0x19: {  	_ =	swait.ge [sflag:s14], $0x1400  }
0x1a: {  	[sflag:s14] =	ssyncset.done $0x0  }
0x1b: {  	[sflag:s14] =	ssyncadd.s32 $0xFFFFEC00  }
0x1c: {  	[tilespmem:s15], [sflag:$0x3] =	stream.linear.gather [hbm4b:s8+s3], $0x1400, $0x38;
	[tilespmem:$0x1E800] =	vst v63  }
0x1d: {  	_ =	swait.ge [sflag:s14], $0x1400  }
0x1e: {  	[sflag:s14] =	ssyncset.done $0x0  }
0x1f: {  	[sflag:s14] =	ssyncadd.s32 $0xFFFFEC00  }
0x20: {  	[tilespmem:s17], [sflag:$0x1] =	stream.indirect.gather [hbm4b:s4+s16], $0x80, s3, s16, $0xb8;
	[tilespmem:$0x1E800] =	vst v63  }
0x21: {  	s25 =	simm.s32 $0x80  }
0x22: {  	[tilespmem:s18], [sflag:$0x2] =	stream.indirect.gather [hbm4b:s4+s16], $0x80, s25, s16, $0xb8;
	[tilespmem:$0x1E800] =	vst v63  }
0x23: {  	_ =	swait.ge [sflag:s19], $0x3E80  }
0x24: {  	[sflag:s19] =	ssyncset.done $0x0  }
0x25: {  	s29 =	simm.s32 $0x1400;
	[sflag:s19] =	ssyncadd.s32 $0xFFFFC180  }
0x26: {  	[spmem:s1] =	stream.indirect.scatter.add.f32 [tilespmem:s17], [sflag:$0x3], $0x80, s29, s16, $0xb8;
	[tilespmem:$0x1E800] =	vst v63  }
0x27: {  	_ =	swait.ge [sflag:s14], $0x3E80  }
0x28: {  	[sflag:s14] =	ssyncset.done $0x0  }
0x29: {  	s30 =	simm.s32 $0x100;
	[sflag:s14] =	ssyncadd.s32 $0xFFFFC180  }
0x2a: {  	[tilespmem:s17], [sflag:$0x1] =	stream.indirect.gather [hbm4b:s4+s16], $0x80, s30, s16, $0xb8;
	[tilespmem:$0x1E800] =	vst v63  }
0x2b: {  	_ =	swait.ge [sflag:s20], $0x3E80  }
0x2c: {  	[sflag:s20] =	ssyncset.done $0x0  }
0x2d: {  	s31 =	simm.s32 $0x1480;
	[sflag:s20] =	ssyncadd.s32 $0xFFFFC180  }
0x2e: {  	[spmem:s1] =	stream.indirect.scatter.add.f32 [tilespmem:s18], [sflag:$0x3], $0x80, s31, s16, $0xb8;
	[tilespmem:$0x1E800] =	vst v63  }
0x2f: {  	_ =	swait.ge [sflag:s14], $0x3E80  }
0x30: {  	s26 =	simm.s32 $0x800;
	s25 =	simm.s32 $0x100;
	[sflag:s14] =	ssyncset.done $0x0  }
.LBB2_2:
0x31: {  	s28 =	sadd.s32 $0x80, s25  }
0x32: {  	[sflag:s14] =	ssyncadd.s32 $0xFFFFC180;
	s29 =	smov.u32 s26;
	s30 =	sadd.s32 $0x400, s26  }
0x33: {  	[tilespmem:s18], [sflag:$0x2] =	stream.indirect.gather [hbm4b:s4+s16], $0x80, s28, s16, $0xb8;
	[tilespmem:$0x1E800] =	vst v63  }
0x34: {  	p0 =	sne.s32 s26, $0x4800;
	_ =	swait.ge [sflag:s19], $0x3E80  }
0x35: {  	[sflag:s19] =	ssyncset.done $0x0  }
0x36: {  	s26 =	sadd.s32 $0x1400, s25;
	[sflag:s19] =	ssyncadd.s32 $0xFFFFC180  }
0x37: {  	[spmem:s1] =	stream.indirect.scatter.add.f32 [tilespmem:s17], [sflag:$0x3], $0x80, s26, s16, $0xb8;
	[tilespmem:$0x1E800] =	vst v63  }
0x38: {  	_ =	swait.ge [sflag:s14], $0x3E80  }
0x39: {  	[sflag:s14] =	ssyncset.done $0x0  }
0x3a: {  	s26 =	sadd.s32 $0x100, s25;
	[sflag:s14] =	ssyncadd.s32 $0xFFFFC180  }
0x3b: {  	[tilespmem:s17], [sflag:$0x1] =	stream.indirect.gather [hbm4b:s4+s16], $0x80, s26, s16, $0xb8;
	[tilespmem:$0x1E800] =	vst v63  }
0x3c: {  	_ =	swait.ge [sflag:s20], $0x3E80  }
.Ltmp0:
0x3d: {  	[sflag:s20] =	ssyncset.done $0x0;
	(pc) =	sbr.rel @p0 .LBB2_2-.Ltmp0, $4  }
0x3e: {  	s25 =	sadd.s32 $0x1480, s25;
	[sflag:s20] =	ssyncadd.s32 $0xFFFFC180  }
0x3f: {  	[spmem:s1] =	stream.indirect.scatter.add.f32 [tilespmem:s18], [sflag:$0x3], $0x80, s25, s16, $0xb8;
	[tilespmem:$0x1E800] =	vst v63  }
0x40: {  	_ =	swait.ge [sflag:s14], $0x3E80  }
0x41: {  	s26 =	smov.u32 s30;
	s25 =	sshra.s32 s29, $0x2;
	[sflag:s14] =	ssyncset.done $0x0  }
0x42: {  	s26 =	sadd.s32 $0x80, s25;
	[sflag:s14] =	ssyncadd.s32 $0xFFFFC180  }
0x43: {  	[tilespmem:s18], [sflag:$0x2] =	stream.indirect.gather [hbm4b:s4+s16], $0x80, s26, s16, $0xb8;
	[tilespmem:$0x1E800] =	vst v63  }
0x44: {  	_ =	swait.ge [sflag:s19], $0x3E80  }
0x45: {  	[sflag:s19] =	ssyncset.done $0x0  }
0x46: {  	s29 =	sadd.s32 $0x1400, s25;
	[sflag:s19] =	ssyncadd.s32 $0xFFFFC180  }
0x47: {  	[spmem:s1] =	stream.indirect.scatter.add.f32 [tilespmem:s17], [sflag:$0x3], $0x80, s29, s16, $0xb8;
	[tilespmem:$0x1E800] =	vst v63  }
0x48: {  	_ =	swait.ge [sflag:s14], $0x3E80  }
0x49: {  	[sflag:s14] =	ssyncset.done $0x0  }
0x4a: {  	s30 =	sadd.s32 $0x100, s25;
	[sflag:s14] =	ssyncadd.s32 $0xFFFFC180  }
0x4b: {  	[tilespmem:s17], [sflag:$0x1] =	stream.indirect.gather [hbm4b:s4+s16], $0x80, s30, s16, $0xb8;
	[tilespmem:$0x1E800] =	vst v63  }
0x4c: {  	_ =	swait.ge [sflag:s20], $0x3E80  }
0x4d: {  	[sflag:s20] =	ssyncset.done $0x0  }
0x4e: {  	s31 =	sadd.s32 $0x1480, s25;
	[sflag:s20] =	ssyncadd.s32 $0xFFFFC180  }
0x4f: {  	[spmem:s1] =	stream.indirect.scatter.add.f32 [tilespmem:s18], [sflag:$0x3], $0x80, s31, s16, $0xb8;
	[tilespmem:$0x1E800] =	vst v63  }
0x50: {  	_ =	swait.ge [sflag:s14], $0x3E80  }
0x51: {  	[sflag:s14] =	ssyncset.done $0x0  }
0x52: {  	[sflag:s14] =	ssyncadd.s32 $0xFFFFC180  }
0x53: {  	[tilespmem:s18], [sflag:$0x2] =	stream.indirect.gather [hbm4b:s4+s16], $0x80, s21, s16, $0xb8;
	[tilespmem:$0x1E800] =	vst v63  }
0x54: {  	_ =	swait.ge [sflag:s19], $0x3E80  }
0x55: {  	[sflag:s19] =	ssyncset.done $0x0  }
0x56: {  	[sflag:s19] =	ssyncadd.s32 $0xFFFFC180  }
0x57: {  	[spmem:s1] =	stream.indirect.scatter.add.f32 [tilespmem:s17], [sflag:$0x3], $0x80, s22, s16, $0xb8;
	[tilespmem:$0x1E800] =	vst v63  }
0x58: {  	_ =	swait.ge [sflag:s14], $0x3E80  }
0x59: {  	[sflag:s14] =	ssyncset.done $0x0  }
0x5a: {  	[sflag:s14] =	ssyncadd.s32 $0xFFFFC180  }
0x5b: {  	[tilespmem:s17], [sflag:$0x1] =	stream.indirect.gather [hbm4b:s4+s16], $0x80, s21, s16, $0xb8;
	[tilespmem:$0x1E800] =	vst v63  }
0x5c: {  	_ =	swait.ge [sflag:s20], $0x3E80  }
0x5d: {  	[sflag:s20] =	ssyncset.done $0x0  }
0x5e: {  	[sflag:s20] =	ssyncadd.s32 $0xFFFFC180  }
0x5f: {  	[spmem:s1] =	stream.indirect.scatter.add.f32 [tilespmem:s18], [sflag:$0x3], $0x80, s23, s16, $0xb8;
	[tilespmem:$0x1E800] =	vst v63  }
0x60: {  	_ =	swait.ge [sflag:s14], $0x3E80  }
0x61: {  	[sflag:s14] =	ssyncset.done $0x0  }
0x62: {  	[sflag:s14] =	ssyncadd.s32 $0xFFFFC180  }
0x63: {  	_ =	swait.ge [sflag:s19], $0x3E80  }
0x64: {  	[sflag:s19] =	ssyncset.done $0x0  }
0x65: {  	s26 =	simm.s32 $0x0;
	[sflag:s19] =	ssyncadd.s32 $0xFFFFC180  }
0x66: {  	[tilespmem:s26], [sflag:$0x3] =	stream.linear.gather [hbm4b:s9+s26], $0x1400, $0x38;
	[tilespmem:$0x1E800] =	vst v63  }
0x67: {  	_ =	swait.ge [sflag:s14], $0x1400  }
0x68: {  	[sflag:s14] =	ssyncset.done $0x0  }
0x69: {  	[sflag:s14] =	ssyncadd.s32 $0xFFFFEC00  }
0x6a: {  	[tilespmem:s15], [sflag:$0x3] =	stream.linear.gather [hbm4b:s10+s26], $0x1400, $0x38;
	[tilespmem:$0x1E800] =	vst v63  }
0x6b: {  	_ =	swait.ge [sflag:s14], $0x1400  }
0x6c: {  	[sflag:s14] =	ssyncset.done $0x0  }
0x6d: {  	[sflag:s14] =	ssyncadd.s32 $0xFFFFEC00  }
0x6e: {  	[tilespmem:s17], [sflag:$0x1] =	stream.indirect.gather [hbm4b:s4+s16], $0x80, s26, s16, $0xb8;
	[tilespmem:$0x1E800] =	vst v63  }
0x6f: {  	s28 =	simm.s32 $0x80  }
0x70: {  	[tilespmem:s18], [sflag:$0x2] =	stream.indirect.gather [hbm4b:s4+s16], $0x80, s28, s16, $0xb8;
	[tilespmem:$0x1E800] =	vst v63  }
0x71: {  	_ =	swait.ge [sflag:s19], $0x3E80  }
0x72: {  	[sflag:s19] =	ssyncset.done $0x0  }
0x73: {  	s29 =	simm.s32 $0x1400;
	[sflag:s19] =	ssyncadd.s32 $0xFFFFC180  }
0x74: {  	[spmem:s1] =	stream.indirect.scatter.add.f32 [tilespmem:s17], [sflag:$0x3], $0x80, s29, s16, $0xb8;
	[tilespmem:$0x1E800] =	vst v63  }
0x75: {  	_ =	swait.ge [sflag:s14], $0x3E80  }
0x76: {  	[sflag:s14] =	ssyncset.done $0x0  }
0x77: {  	s30 =	simm.s32 $0x100;
	[sflag:s14] =	ssyncadd.s32 $0xFFFFC180  }
0x78: {  	[tilespmem:s17], [sflag:$0x1] =	stream.indirect.gather [hbm4b:s4+s16], $0x80, s30, s16, $0xb8;
	[tilespmem:$0x1E800] =	vst v63  }
0x79: {  	_ =	swait.ge [sflag:s20], $0x3E80  }
0x7a: {  	[sflag:s20] =	ssyncset.done $0x0  }
0x7b: {  	s31 =	simm.s32 $0x1480;
	[sflag:s20] =	ssyncadd.s32 $0xFFFFC180  }
0x7c: {  	[spmem:s1] =	stream.indirect.scatter.add.f32 [tilespmem:s18], [sflag:$0x3], $0x80, s31, s16, $0xb8;
	[tilespmem:$0x1E800] =	vst v63  }
0x7d: {  	_ =	swait.ge [sflag:s14], $0x3E80  }
0x7e: {  	s25 =	simm.s32 $0x100;
	s26 =	simm.s32 $0x800;
	[sflag:s14] =	ssyncset.done $0x0  }
.LBB2_4:
0x7f: {  	s28 =	sadd.s32 $0x80, s25  }
0x80: {  	[sflag:s14] =	ssyncadd.s32 $0xFFFFC180;
	s29 =	smov.u32 s26;
	s30 =	sadd.s32 $0x400, s26  }
0x81: {  	[tilespmem:s18], [sflag:$0x2] =	stream.indirect.gather [hbm4b:s4+s16], $0x80, s28, s16, $0xb8;
	[tilespmem:$0x1E800] =	vst v63  }
0x82: {  	p0 =	sne.s32 s26, $0x4800;
	_ =	swait.ge [sflag:s19], $0x3E80  }
0x83: {  	[sflag:s19] =	ssyncset.done $0x0  }
0x84: {  	s26 =	sadd.s32 $0x1400, s25;
	[sflag:s19] =	ssyncadd.s32 $0xFFFFC180  }
0x85: {  	[spmem:s1] =	stream.indirect.scatter.add.f32 [tilespmem:s17], [sflag:$0x3], $0x80, s26, s16, $0xb8;
	[tilespmem:$0x1E800] =	vst v63  }
0x86: {  	_ =	swait.ge [sflag:s14], $0x3E80  }
0x87: {  	[sflag:s14] =	ssyncset.done $0x0  }
0x88: {  	s26 =	sadd.s32 $0x100, s25;
	[sflag:s14] =	ssyncadd.s32 $0xFFFFC180  }
0x89: {  	[tilespmem:s17], [sflag:$0x1] =	stream.indirect.gather [hbm4b:s4+s16], $0x80, s26, s16, $0xb8;
	[tilespmem:$0x1E800] =	vst v63  }
0x8a: {  	_ =	swait.ge [sflag:s20], $0x3E80  }
.Ltmp1:
0x8b: {  	[sflag:s20] =	ssyncset.done $0x0;
	(pc) =	sbr.rel @p0 .LBB2_4-.Ltmp1, $4  }
0x8c: {  	s25 =	sadd.s32 $0x1480, s25;
	[sflag:s20] =	ssyncadd.s32 $0xFFFFC180  }
0x8d: {  	[spmem:s1] =	stream.indirect.scatter.add.f32 [tilespmem:s18], [sflag:$0x3], $0x80, s25, s16, $0xb8;
	[tilespmem:$0x1E800] =	vst v63  }
0x8e: {  	_ =	swait.ge [sflag:s14], $0x3E80  }
0x8f: {  	s26 =	smov.u32 s30;
	s25 =	sshra.s32 s29, $0x2;
	[sflag:s14] =	ssyncset.done $0x0  }
0x90: {  	s26 =	sadd.s32 $0x80, s25;
	[sflag:s14] =	ssyncadd.s32 $0xFFFFC180  }
0x91: {  	[tilespmem:s18], [sflag:$0x2] =	stream.indirect.gather [hbm4b:s4+s16], $0x80, s26, s16, $0xb8;
	[tilespmem:$0x1E800] =	vst v63  }
0x92: {  	_ =	swait.ge [sflag:s19], $0x3E80  }
0x93: {  	[sflag:s19] =	ssyncset.done $0x0  }
0x94: {  	s29 =	sadd.s32 $0x1400, s25;
	[sflag:s19] =	ssyncadd.s32 $0xFFFFC180  }
0x95: {  	[spmem:s1] =	stream.indirect.scatter.add.f32 [tilespmem:s17], [sflag:$0x3], $0x80, s29, s16, $0xb8;
	[tilespmem:$0x1E800] =	vst v63  }
0x96: {  	_ =	swait.ge [sflag:s14], $0x3E80  }
0x97: {  	[sflag:s14] =	ssyncset.done $0x0  }
0x98: {  	s30 =	sadd.s32 $0x100, s25;
	[sflag:s14] =	ssyncadd.s32 $0xFFFFC180  }
0x99: {  	[tilespmem:s17], [sflag:$0x1] =	stream.indirect.gather [hbm4b:s4+s16], $0x80, s30, s16, $0xb8;
	[tilespmem:$0x1E800] =	vst v63  }
0x9a: {  	_ =	swait.ge [sflag:s20], $0x3E80  }
0x9b: {  	[sflag:s20] =	ssyncset.done $0x0  }
0x9c: {  	s31 =	sadd.s32 $0x1480, s25;
	[sflag:s20] =	ssyncadd.s32 $0xFFFFC180  }
0x9d: {  	[spmem:s1] =	stream.indirect.scatter.add.f32 [tilespmem:s18], [sflag:$0x3], $0x80, s31, s16, $0xb8;
	[tilespmem:$0x1E800] =	vst v63  }
0x9e: {  	_ =	swait.ge [sflag:s14], $0x3E80  }
0x9f: {  	[sflag:s14] =	ssyncset.done $0x0  }
0xa0: {  	[sflag:s14] =	ssyncadd.s32 $0xFFFFC180  }
0xa1: {  	[tilespmem:s18], [sflag:$0x2] =	stream.indirect.gather [hbm4b:s4+s16], $0x80, s21, s16, $0xb8;
	[tilespmem:$0x1E800] =	vst v63  }
0xa2: {  	_ =	swait.ge [sflag:s19], $0x3E80  }
0xa3: {  	[sflag:s19] =	ssyncset.done $0x0  }
0xa4: {  	[sflag:s19] =	ssyncadd.s32 $0xFFFFC180  }
0xa5: {  	[spmem:s1] =	stream.indirect.scatter.add.f32 [tilespmem:s17], [sflag:$0x3], $0x80, s22, s16, $0xb8;
	[tilespmem:$0x1E800] =	vst v63  }
0xa6: {  	_ =	swait.ge [sflag:s14], $0x3E80  }
0xa7: {  	[sflag:s14] =	ssyncset.done $0x0  }
0xa8: {  	[sflag:s14] =	ssyncadd.s32 $0xFFFFC180  }
0xa9: {  	[tilespmem:s17], [sflag:$0x1] =	stream.indirect.gather [hbm4b:s4+s16], $0x80, s21, s16, $0xb8;
	[tilespmem:$0x1E800] =	vst v63  }
0xaa: {  	_ =	swait.ge [sflag:s20], $0x3E80  }
0xab: {  	[sflag:s20] =	ssyncset.done $0x0  }
0xac: {  	[sflag:s20] =	ssyncadd.s32 $0xFFFFC180  }
0xad: {  	[spmem:s1] =	stream.indirect.scatter.add.f32 [tilespmem:s18], [sflag:$0x3], $0x80, s23, s16, $0xb8;
	[tilespmem:$0x1E800] =	vst v63  }
0xae: {  	_ =	swait.ge [sflag:s14], $0x3E80  }
0xaf: {  	[sflag:s14] =	ssyncset.done $0x0  }
0xb0: {  	[sflag:s14] =	ssyncadd.s32 $0xFFFFC180  }
0xb1: {  	_ =	swait.ge [sflag:s19], $0x3E80  }
0xb2: {  	s24 =	sadd.s32 $0x1, s24;
	[sflag:s19] =	ssyncset.done $0x0  }
0xb3: {  	p0 =	sne.s32 s24, s12;
	[sflag:s19] =	ssyncadd.s32 $0xFFFFC180  }
.Ltmp2:
0xb4: {  	[bflag:$0x0] =	sbarrier.arrive $0xFFFF;
	(pc) =	sbr.rel @p0 .LBB2_1-.Ltmp2, $4  }
0xb5: {  	[hbm:s11], [sflag:s6] =	dma.local [spmem:s13], $0x2800  }
0xb6: {  	_ =	swait.ge [sflag:s14], $0x2800  }
0xb7: {  	[sflag:s14] =	ssyncset.done $0x0  }
0xb8: {  	[sflag:s14] =	ssyncadd.s32 $0xFFFFD800  }
0xb9: {  	_ =	sfence.sel $0x180000  }
0xba: {  	[bflag:$0x0] =	sbarrier.arrive $0xFFFF  }
0xbb: {  	p0 =	sne.s32 s2, $0x0;
	_ =	strace $0x9000004A  }
0xbc: {  	s0 =	sadd.s32 @!p0 $0x100000, s0;
	[bflag:$0x2] =	sbarrier.arrive $0xFFFF  }
0xbd: {  	[sflag:s0] =	ssyncadd.tile.s32 @!p0 $0x1;
	_ =	shalt  }
.Lfunc_end2:
_tile_overlayer_lowered:
.L_overlay_start_2:
0xbe: {  	(tag) =	ssettag $0x2  }
0xbf: {  	s0 =	rddreg [dreg:$0x0];
	s2 =	stileid.u32  }
0xc0: {  	s1 =	rddreg [dreg:$0x1];
	p0 =	sne.s32 s2, $0x0  }
0xc1: {  	s3 =	rddreg [dreg:$0x2];
	[bflag:$0x3] =	sbarrier.arrive $0xFFFF;
	s2 =	simm.s32 @!p0 $0x1C03  }
0xc2: {  	[timem:s3], [sflag:s2] =	dma.local @!p0 [hbm:s0], s1  }
0xc3: {  	s0 =	simm.s32 @!p0 $0x3  }
0xc4: {  	_ =	swait.ge @!p0 [sflag:s0], s1  }
0xc5: {  	s1 =	ssub.s32 @!p0 $0x0, s1;
	[sflag:s0] =	ssyncset.done @!p0 $0x0  }
0xc6: {  	[sflag:s0] =	ssyncadd.s32 @!p0 s1  }
0xc7: {  	[bflag:$0x3] =	sbarrier.arrive $0xFFFF  }
0xc8: {  	_ =	shalt  }

// kernel: kernel.15.cloned.1.call-start
scs
__scs_entry_jumppad:
0x0: {  	(pc) =	sbr.rel $0x88, $3  }
0x1: {  	(tag) =	ssettag $0x0;
	lr =	simm.s32 $0x1  }
0x2: {  	[smem:$0x3F98] =	sst lr;
	_ =	strace $0xD0000000  }
0x3: {  	_ = 	snop  }
0x4: {  	_ = 	snop  }
0x5: {  	_ = 	snop  }
0x6: {  	_ = 	snop  }
0x7: {  	_ = 	snop  }
__scs_overlays_trampoline_lowered:
0x8: {  	[smem:$0x3FA7] =	sst s0  }
0x9: {  	[smem:$0x3FA8] =	sst s1  }
0xa: {  	[smem:$0x3FA9] =	sst s2  }
0xb: {  	[smem:$0x3FAA] =	sst s3  }
0xc: {  	[smem:$0x3FAB] =	sst s4  }
0xd: {  	[smem:$0x3FAC] =	sst s5  }
0xe: {  	[smem:$0x3FAD] =	sst s6  }
0xf: {  	[smem:$0x3FAE] =	sst s7  }
0x10: {  	[smem:$0x3FAF] =	sst s8  }
0x11: {  	[smem:$0x3FB0] =	sst s9;
	s0 =	simm.s32 @!p0 $0x0  }
0x12: {  	s1 =	sld [smem:$0x3F96];
	s0 =	simm.s32 @p0 $0x1  }
0x13: {  	[smem:$0x3FB1] =	sst s0;
	s0 =	simm.s32 @!p1 $0x0  }
0x14: {  	s2 =	sld [smem:$0x3F95];
	s0 =	simm.s32 @p1 $0x1  }
0x15: {  	[smem:$0x3FB2] =	sst s0;
	s0 =	simm.s32 @!p2 $0x0  }
0x16: {  	s3 =	sld [smem:$0x3FDB];
	s0 =	simm.s32 @p2 $0x1  }
0x17: {  	s4 =	simm.s32 $0x1BF5;
	[smem:$0x3FB4] =	sst s0  }
0x18: {  	s0 =	sld [smem:$0x3F97];
	_ =	swait.ge [sflag:s4], $0x0  }
0x19: {  	s7 =	sld [smem:$0x3F98]  }
0x1a: {  	s8 =	sadd.s32 $0xFFFFE003, lr  }
0x1b: {  	s9 =	sadd.s32 $0xFFFFFEF7, lr;
	s5 =	simm.s32 $0xFFFFFFFF;
	p2 =	slt.u32 s8, $0xFFFFF086  }
0x1c: {  	p1 =	slt.u32 s9, $0xF7A;
	s5 =	simm.s32 @!p2 $0x0  }
0x1d: {  	s5 =	simm.s32 @p1 $0x1;
	p0 =	seq.s32 s7, s2  }
0x1e: {  	s7 =	smul.u32 @!p0 $0xF7A, s2;
	p2 =	seq.s32 @!p0 s5, $0x0  }
0x1f: {  	s9 =	smul.u32 $0xF7A, s1;
	s8 =	simm.s32 @!p0 $0x1BF5;
	p2 =	por !p2, p0  }
0x20: {  	[sflag:s8] =	ssyncset.s32 @!p0 $0xFFFFF086;
	s6 =	sadd.s32 @!p0 s3, s7;
	s7 =	simm.s32 @!p0 $0x108  }
0x21: {  	s3 =	sadd.s32 s3, s9;
	s6 =	sadd.s32 @!p0 $0x88, s6;
	s7 =	simm.s32 @p2 $0x1082  }
0x22: {  	[simem:s7], [sflag:s8] =	dma.local @!p0 [hbm:s6], $0xF7A  }
0x23: {  	s9 =	sor.u32 $0xD0000000, s2;
	s6 =	simm.s32 $0x108;
	_ =	swait.ge @!p0 [sflag:s8], $0x0  }
0x24: {  	s3 =	sadd.s32 $0x88, s3;
	s6 =	simm.s32 @!p1 $0x1082;
	[sflag:s4] =	ssyncset.s32 $0xFFFFF086  }
0x25: {  	[simem:s6], [sflag:s4] =	dma.local [hbm:s3], $0xF7A  }
0x26: {  	[smem:$0x3F98] =	sst s1;
	(tag) =	ssettag s2;
	_ =	strace s9  }
0x27: {  	s1 =	sld [smem:$0x3FA8]  }
0x28: {  	s2 =	sld [smem:$0x3FA9]  }
0x29: {  	s4 =	sld [smem:$0x3FAB]  }
0x2a: {  	p0 =	seq.s32 s5, $0x0;
	s5 =	sld [smem:$0x3FAC]  }
0x2b: {  	s6 =	sld [smem:$0x3FAD]  }
0x2c: {  	s7 =	sld [smem:$0x3FAE]  }
0x2d: {  	s3 =	simm.s32 $0x108;
	s8 =	sld [smem:$0x3FAF]  }
0x2e: {  	s3 =	simm.s32 @!p0 $0x1082;
	s9 =	sld [smem:$0x3FB0]  }
0x2f: {  	lr =	sadd.s32 s0, s3;
	s0 =	sld [smem:$0x3FA7]  }
0x30: {  	s3 =	sld [smem:$0x3FAA]  }
0x31: {  	[smem:$0x3FB3] =	sst s10  }
0x32: {  	s10 =	sld [smem:$0x3FB1];
	_ =	sdelay $0x3  }
0x33: {  	p0 =	seq.s32 s10, $0x1;
	s10 =	sld [smem:$0x3FB3];
	_ =	sdelay $0x3  }
0x34: {  	[smem:$0x3FB3] =	sst s10  }
0x35: {  	s10 =	sld [smem:$0x3FB2];
	_ =	sdelay $0x3  }
0x36: {  	p1 =	seq.s32 s10, $0x1;
	s10 =	sld [smem:$0x3FB3];
	_ =	sdelay $0x3  }
0x37: {  	[smem:$0x3FB3] =	sst s10  }
0x38: {  	s10 =	sld [smem:$0x3FB4]  }
0x39: {  	_ = 	snop;
	(pc) =	sbr.ind lr, $3  }
0x3a: {  	_ = 	snop  }
0x3b: {  	_ = 	snop  }
0x3c: {  	p2 =	seq.s32 s10, $0x1;
	s10 =	sld [smem:$0x3FB3]  }
0x3d: {  	_ =	shalt  }
0x3e: {  	_ =	shalt  }
0x3f: {  	_ =	shalt  }
0x40: {  	_ =	shalt  }
0x41: {  	_ =	shalt  }
0x42: {  	_ =	shalt  }
0x43: {  	_ =	shalt  }
0x44: {  	_ =	shalt  }
0x45: {  	_ =	shalt  }
0x46: {  	_ =	shalt  }
0x47: {  	_ =	shalt  }
0x48: {  	_ =	shalt  }
0x49: {  	_ =	shalt  }
0x4a: {  	_ =	shalt  }
0x4b: {  	_ =	shalt  }
0x4c: {  	_ =	shalt  }
0x4d: {  	_ =	shalt  }
0x4e: {  	_ =	shalt  }
0x4f: {  	_ =	shalt  }
0x50: {  	_ =	shalt  }
0x51: {  	_ =	shalt  }
0x52: {  	_ =	shalt  }
0x53: {  	_ =	shalt  }
0x54: {  	_ =	shalt  }
0x55: {  	_ =	shalt  }
0x56: {  	_ =	shalt  }
0x57: {  	_ =	shalt  }
0x58: {  	_ =	shalt  }
0x59: {  	_ =	shalt  }
0x5a: {  	_ =	shalt  }
0x5b: {  	_ =	shalt  }
0x5c: {  	_ =	shalt  }
0x5d: {  	_ =	shalt  }
0x5e: {  	_ =	shalt  }
0x5f: {  	_ =	shalt  }
0x60: {  	_ =	shalt  }
0x61: {  	_ =	shalt  }
0x62: {  	_ =	shalt  }
0x63: {  	_ =	shalt  }
0x64: {  	_ =	shalt  }
0x65: {  	_ =	shalt  }
0x66: {  	_ =	shalt  }
0x67: {  	_ =	shalt  }
0x68: {  	_ =	shalt  }
0x69: {  	_ =	shalt  }
0x6a: {  	_ =	shalt  }
0x6b: {  	_ =	shalt  }
0x6c: {  	_ =	shalt  }
0x6d: {  	_ =	shalt  }
0x6e: {  	_ =	shalt  }
0x6f: {  	_ =	shalt  }
0x70: {  	_ =	shalt  }
0x71: {  	_ =	shalt  }
0x72: {  	_ =	shalt  }
0x73: {  	_ =	shalt  }
0x74: {  	_ =	shalt  }
0x75: {  	_ =	shalt  }
0x76: {  	_ =	shalt  }
0x77: {  	_ =	shalt  }
0x78: {  	_ =	shalt  }
0x79: {  	_ =	shalt  }
0x7a: {  	_ =	shalt  }
0x7b: {  	_ =	shalt  }
0x7c: {  	_ =	shalt  }
0x7d: {  	_ =	shalt  }
0x7e: {  	_ =	shalt  }
0x7f: {  	_ =	shalt  }
0x80: {  	_ =	shalt  }
0x81: {  	_ =	shalt  }
0x82: {  	_ =	shalt  }
0x83: {  	_ =	shalt  }
0x84: {  	_ =	shalt  }
0x85: {  	_ =	shalt  }
0x86: {  	_ =	shalt  }
0x87: {  	_ =	shalt  }
.Lfunc_end0:
.L_simem_size_0:
called_computation.2_lowered:
.L_overlay_start_0:
0x88: {  	s2 =	sld [smem:$0x3FD9]  }
0x89: {  	s3 =	sld [smem:$0x3FFE];
	_ =	sdelay $0x1  }
0x8a: {  	s1 =	srdreg.scid  }
0x8b: {  	s0 =	sand.u32 $0x1, s1  }
0x8c: {  	s16 =	sshll.u32 s0, $0xA;
	s2 =	sadd.s32 s3, s2  }
0x8d: {  	s2 =	sadd.s32 s2, s16  }
0x8e: {  	[smem:$0x3FBF] =	sst s2  }
0x8f: {  	_ = 	snop  }
0x90: {  	(tm) =	ssettm $0x1  }
0x91: {  	s17 =	sld [smem:$0x3FFB];
	_ =	sdelay $0x3  }
0x92: {  	_ =	strace s17  }
0x93: {  	s2 =	sld [smem:$0x3FFC];
	_ =	sdelay $0x3  }
0x94: {  	_ =	strace s2  }
0x95: {  	s2 =	sld [smem:$0x3FFD];
	_ =	sdelay $0x3  }
0x96: {  	_ =	strace s2  }
0x97: {  	_ =	strace $0x8FFFFFFF  }
0x98: {  	s18 =	sld [smem:$0x3FDB];
	_ =	sdelay $0x1  }
0x99: {  	s19 =	simm.s32 $_scs_section_size  }
0x9a: {  	s4 =	simm.s32 $_size__tile_overlayer_lowered;
	s5 =	simm.s32 $_tile_overlayer_lowered  }
0x9b: {  	s22 =	simm.s32 $0x1BFF;
	s21 =	sshll.u32 s5, $0x1;
	s2 =	sadd.s32 s19, s18  }
0x9c: {  	s6 =	simm.s32 $0x0;
	s20 =	sshll.u32 s4, $0x1;
	s4 =	sadd.s32 s21, s2  }
0x9d: {  	[timem:s6], [sflag:s22] =	dma.local [hbm:s4], s20  }
0x9e: {  	_ =	swait.ge [sflag:s22], s20  }
0x9f: {  	s3 =	ssub.s32 $0x0, s20;
	[sflag:s22] =	ssyncset.done $0x0  }
0xa0: {  	[sflag:s22] =	ssyncadd.s32 s3;
	_ =	sdelay $0x1  }
0xa1: {  	s23 =	simm.s32 $0x1B8B  }
0xa2: {  	_ =	swait.ge [sflag:s23], $0x1  }
0xa3: {  	[sflag:s23] =	ssyncset.done $0x0  }
0xa4: {  	s25 =	simm.s32 $0x1B8E;
	s24 =	sld [smem:$0x3FFE];
	[sflag:s23] =	ssyncadd.s32 $0xFFFFFFFF  }
0xa5: {  	s26 =	simm.s32 $execute0_lowered;
	[smem:$0x3FD2] =	sst s25  }
0xa6: {  	s4 =	sshll.u32 s26, $0x1;
	_ =	strace $0x8000004C;
	[dreg:$0x1] =	wrdreg $0xFFFFFFFF  }
0xa7: {  	s28 =	simm.s32 $_size_execute0_lowered;
	s2 =	sadd.s32 s2, s4;
	[dreg:$0x0] =	wrdreg $0x0  }
0xa8: {  	s4 =	sshll.u32 s28, $0x1;
	[dreg:$0x2] =	wrdreg s2  }
0xa9: {  	[dreg:$0x3] =	wrdreg s4  }
0xaa: {  	[dreg:$0x4] =	wrdreg $0xC0  }
0xab: {  	_ =	task [dreg:s6], $0x5FFFF  }
0xac: {  	[dreg:$0x1] =	wrdreg $0xFFFFFFFF  }
0xad: {  	[dreg:$0x0] =	wrdreg $0x60  }
0xae: {  	[dreg:$0x2] =	wrdreg s24  }
0xaf: {  	[dreg:$0x3] =	wrdreg $0xA8000  }
0xb0: {  	[dreg:$0x4] =	wrdreg $0x9  }
0xb1: {  	_ =	task.clear_ibuf [dreg:s6], $0x5FFFF;
	_ =	strace $0x9000004C  }
0xb2: {  	s29 =	simm.s32 $0x9;
	_ =	strace $0x8000004E  }
0xb3: {  	_ =	swait.ge [sflag:s29], $0x1  }
0xb4: {  	[sflag:s29] =	ssyncadd.s32 $0xFFFFFFFF  }
0xb5: {  	_ =	strace $0x9000004E  }
0xb6: {  	_ =	sfence  }
0xb7: {  	s30 =	sld [smem:$0x0];
	_ =	sdelay $0x2  }
0xb8: {  	s31 =	sshll.u32 s1, $0xD;
	s1 =	sshrl.u32 s1, $0x2  }
0xb9: {  	s3 =	sand.u32 $0x4000, s31;
	s1 =	sadd.s32 s1, s30  }
0xba: {  	s0 =	sor.u32 s3, s0;
	s1 =	sshll.u32 s1, $0x11  }
0xbb: {  	s0 =	sor.u32 s1, s0  }
0xbc: {  	s0 =	sadd.s32 $0x8F2B, s0  }
0xbd: {  	[sflag:s0] =	ssyncadd.remote.s32 $0x1  }
0xbe: {  	_ =	sfence.sel $0xFFFF  }
0xbf: {  	[dreg:$0x0] =	wrdreg $0xFFFFFFFF;
	(pc) =	sbr.abs _section_cstart, $3  }
0xc0: {  	[dreg:$0x1] =	wrdreg $0xFFFFFFFF  }
0xc1: {  	_ =	task.clear_ibuf [dreg:s6], $0x2FFFF;
	_ =	strace $0x9FFFFFFF  }
0xc2: {  	(tm) =	ssettm $0x7FFFFFFF  }
0xc3: {  	_ =	shalt  }
tec
execute0_lowered:
.L_overlay_start_1:
0x0: {  	(tag) =	ssettag $0x1  }
0x1: {  	s6 =	rddreg [dreg:$0x0]  }
0x2: {  	s1 =	rddreg [dreg:$0x1]  }
0x3: {  	s2 =	srdreg.scid;
	s0 =	rddreg [dreg:$0x2]  }
0x4: {  	s3 =	simm.s32 $0x0;
	s15 =	simm.s32 $0x1400;
	s16 =	simm.s32 $0x7D  }
0x5: {  	s17 =	simm.s32 $0x2800;
	s18 =	simm.s32 $0x6800;
	s19 =	simm.s32 $0x1  }
0x6: {  	s20 =	simm.s32 $0x2;
	s21 =	simm.s32 $0x1380;
	s22 =	simm.s32 $0x2700  }
0x7: {  	s5 =	sand.u32 $0x1, s2;
	s2 =	stileid.u32;
	[smem:$0x7FF] =	sst s3  }
0x8: {  	s9 =	sadd.s32 $0x5FA00, s6;
	s10 =	sadd.s32 $0x2A00, s6;
	s7 =	smul.u32 $0x140000, s5  }
0x9: {  	s4 =	sadd.s32 $0xF200, s6;
	s8 =	smul.u32 $0x14000, s2;
	_ =	strace $0x8000004D  }
0xa: {  	s23 =	sshll.u32 s5, $0x4;
	s11 =	ssub.s32 $0x2, s5;
	s25 =	smul.u32 $0x50000, s2  }
0xb: {  	s5 =	sadd.s32 $0xCA00, s6;
	s28 =	sshll.u32 s2, $0x6;
	s24 =	sor.u32 s2, s23  }
0xc: {  	s12 =	sshrl.u32 s11, $0x1;
	s23 =	simm.s32 $0x2780;
	s7 =	sadd.s32 s8, s7  }
0xd: {  	s13 =	smul.u32 $0x2800, s24;
	s12 =	ssub.s32 s11, s12;
	s26 =	sshrl.u32 s25, $0x2  }
0xe: {  	s24 =	simm.s32 $0x0;
	s7 =	sshrl.u32 s7, $0x3;
	s30 =	sadd.s32 s26, s1  }
0xf: {  	s12 =	smax.u32 s12, $0x1;
	s14 =	sadd.s32 s7, s6;
	s29 =	sshrl.u32 s13, $0x3  }
0x10: {  	s6 =	sor.u32 $0x1C03, s28;
	s13 =	sshrl.u32 s30, $0x3;
	s31 =	sadd.s32 $0x280, s29  }
0x11: {  	s7 =	sadd.s32 s9, s29;
	s8 =	sadd.s32 s10, s29;
	s11 =	sadd.s32 $0x69A00, s14  }
0x12: {  	s14 =	simm.s32 $0x3;
	s9 =	sadd.s32 s9, s31;
	s10 =	sadd.s32 s10, s31  }
.LBB2_1:
0x13: {  	[spmem:s13], [sflag:s6] =	dma.local [hbm:s5], $0x2800  }
0x14: {  	_ =	swait.ge [sflag:s14], $0x2800  }
0x15: {  	[sflag:s14] =	ssyncset.done $0x0  }
0x16: {  	[sflag:s14] =	ssyncadd.s32 $0xFFFFD800  }
0x17: {  	[bflag:$0x0] =	sbarrier.arrive $0xFFFF  }
0x18: {  	[tilespmem:s3], [sflag:$0x3] =	stream.linear.gather [hbm4b:s7+s3], $0x1400, $0x38;
	[tilespmem:$0x1E800] =	vst v63  }
0x19: {  	_ =	swait.ge [sflag:s14], $0x1400  }
0x1a: {  	[sflag:s14] =	ssyncset.done $0x0  }
0x1b: {  	[sflag:s14] =	ssyncadd.s32 $0xFFFFEC00  }
0x1c: {  	[tilespmem:s15], [sflag:$0x3] =	stream.linear.gather [hbm4b:s8+s3], $0x1400, $0x38;
	[tilespmem:$0x1E800] =	vst v63  }
0x1d: {  	_ =	swait.ge [sflag:s14], $0x1400  }
0x1e: {  	[sflag:s14] =	ssyncset.done $0x0  }
0x1f: {  	[sflag:s14] =	ssyncadd.s32 $0xFFFFEC00  }
0x20: {  	[tilespmem:s17], [sflag:$0x1] =	stream.indirect.gather [hbm4b:s4+s16], $0x80, s3, s16, $0xb8;
	[tilespmem:$0x1E800] =	vst v63  }
0x21: {  	s25 =	simm.s32 $0x80  }
0x22: {  	[tilespmem:s18], [sflag:$0x2] =	stream.indirect.gather [hbm4b:s4+s16], $0x80, s25, s16, $0xb8;
	[tilespmem:$0x1E800] =	vst v63  }
0x23: {  	_ =	swait.ge [sflag:s19], $0x3E80  }
0x24: {  	[sflag:s19] =	ssyncset.done $0x0  }
0x25: {  	s29 =	simm.s32 $0x1400;
	[sflag:s19] =	ssyncadd.s32 $0xFFFFC180  }
0x26: {  	[spmem:s1] =	stream.indirect.scatter.add.f32 [tilespmem:s17], [sflag:$0x3], $0x80, s29, s16, $0xb8;
	[tilespmem:$0x1E800] =	vst v63  }
0x27: {  	_ =	swait.ge [sflag:s14], $0x3E80  }
0x28: {  	[sflag:s14] =	ssyncset.done $0x0  }
0x29: {  	s30 =	simm.s32 $0x100;
	[sflag:s14] =	ssyncadd.s32 $0xFFFFC180  }
0x2a: {  	[tilespmem:s17], [sflag:$0x1] =	stream.indirect.gather [hbm4b:s4+s16], $0x80, s30, s16, $0xb8;
	[tilespmem:$0x1E800] =	vst v63  }
0x2b: {  	_ =	swait.ge [sflag:s20], $0x3E80  }
0x2c: {  	[sflag:s20] =	ssyncset.done $0x0  }
0x2d: {  	s31 =	simm.s32 $0x1480;
	[sflag:s20] =	ssyncadd.s32 $0xFFFFC180  }
0x2e: {  	[spmem:s1] =	stream.indirect.scatter.add.f32 [tilespmem:s18], [sflag:$0x3], $0x80, s31, s16, $0xb8;
	[tilespmem:$0x1E800] =	vst v63  }
0x2f: {  	_ =	swait.ge [sflag:s14], $0x3E80  }
0x30: {  	s26 =	simm.s32 $0x800;
	s25 =	simm.s32 $0x100;
	[sflag:s14] =	ssyncset.done $0x0  }
.LBB2_2:
0x31: {  	s28 =	sadd.s32 $0x80, s25  }
0x32: {  	[sflag:s14] =	ssyncadd.s32 $0xFFFFC180;
	s29 =	smov.u32 s26;
	s30 =	sadd.s32 $0x400, s26  }
0x33: {  	[tilespmem:s18], [sflag:$0x2] =	stream.indirect.gather [hbm4b:s4+s16], $0x80, s28, s16, $0xb8;
	[tilespmem:$0x1E800] =	vst v63  }
0x34: {  	p0 =	sne.s32 s26, $0x4800;
	_ =	swait.ge [sflag:s19], $0x3E80  }
0x35: {  	[sflag:s19] =	ssyncset.done $0x0  }
0x36: {  	s26 =	sadd.s32 $0x1400, s25;
	[sflag:s19] =	ssyncadd.s32 $0xFFFFC180  }
0x37: {  	[spmem:s1] =	stream.indirect.scatter.add.f32 [tilespmem:s17], [sflag:$0x3], $0x80, s26, s16, $0xb8;
	[tilespmem:$0x1E800] =	vst v63  }
0x38: {  	_ =	swait.ge [sflag:s14], $0x3E80  }
0x39: {  	[sflag:s14] =	ssyncset.done $0x0  }
0x3a: {  	s26 =	sadd.s32 $0x100, s25;
	[sflag:s14] =	ssyncadd.s32 $0xFFFFC180  }
0x3b: {  	[tilespmem:s17], [sflag:$0x1] =	stream.indirect.gather [hbm4b:s4+s16], $0x80, s26, s16, $0xb8;
	[tilespmem:$0x1E800] =	vst v63  }
0x3c: {  	_ =	swait.ge [sflag:s20], $0x3E80  }
.Ltmp0:
0x3d: {  	[sflag:s20] =	ssyncset.done $0x0;
	(pc) =	sbr.rel @p0 .LBB2_2-.Ltmp0, $4  }
0x3e: {  	s25 =	sadd.s32 $0x1480, s25;
	[sflag:s20] =	ssyncadd.s32 $0xFFFFC180  }
0x3f: {  	[spmem:s1] =	stream.indirect.scatter.add.f32 [tilespmem:s18], [sflag:$0x3], $0x80, s25, s16, $0xb8;
	[tilespmem:$0x1E800] =	vst v63  }
0x40: {  	_ =	swait.ge [sflag:s14], $0x3E80  }
0x41: {  	s26 =	smov.u32 s30;
	s25 =	sshra.s32 s29, $0x2;
	[sflag:s14] =	ssyncset.done $0x0  }
0x42: {  	s26 =	sadd.s32 $0x80, s25;
	[sflag:s14] =	ssyncadd.s32 $0xFFFFC180  }
0x43: {  	[tilespmem:s18], [sflag:$0x2] =	stream.indirect.gather [hbm4b:s4+s16], $0x80, s26, s16, $0xb8;
	[tilespmem:$0x1E800] =	vst v63  }
0x44: {  	_ =	swait.ge [sflag:s19], $0x3E80  }
0x45: {  	[sflag:s19] =	ssyncset.done $0x0  }
0x46: {  	s29 =	sadd.s32 $0x1400, s25;
	[sflag:s19] =	ssyncadd.s32 $0xFFFFC180  }
0x47: {  	[spmem:s1] =	stream.indirect.scatter.add.f32 [tilespmem:s17], [sflag:$0x3], $0x80, s29, s16, $0xb8;
	[tilespmem:$0x1E800] =	vst v63  }
0x48: {  	_ =	swait.ge [sflag:s14], $0x3E80  }
0x49: {  	[sflag:s14] =	ssyncset.done $0x0  }
0x4a: {  	s30 =	sadd.s32 $0x100, s25;
	[sflag:s14] =	ssyncadd.s32 $0xFFFFC180  }
0x4b: {  	[tilespmem:s17], [sflag:$0x1] =	stream.indirect.gather [hbm4b:s4+s16], $0x80, s30, s16, $0xb8;
	[tilespmem:$0x1E800] =	vst v63  }
0x4c: {  	_ =	swait.ge [sflag:s20], $0x3E80  }
0x4d: {  	[sflag:s20] =	ssyncset.done $0x0  }
0x4e: {  	s31 =	sadd.s32 $0x1480, s25;
	[sflag:s20] =	ssyncadd.s32 $0xFFFFC180  }
0x4f: {  	[spmem:s1] =	stream.indirect.scatter.add.f32 [tilespmem:s18], [sflag:$0x3], $0x80, s31, s16, $0xb8;
	[tilespmem:$0x1E800] =	vst v63  }
0x50: {  	_ =	swait.ge [sflag:s14], $0x3E80  }
0x51: {  	[sflag:s14] =	ssyncset.done $0x0  }
0x52: {  	[sflag:s14] =	ssyncadd.s32 $0xFFFFC180  }
0x53: {  	[tilespmem:s18], [sflag:$0x2] =	stream.indirect.gather [hbm4b:s4+s16], $0x80, s21, s16, $0xb8;
	[tilespmem:$0x1E800] =	vst v63  }
0x54: {  	_ =	swait.ge [sflag:s19], $0x3E80  }
0x55: {  	[sflag:s19] =	ssyncset.done $0x0  }
0x56: {  	[sflag:s19] =	ssyncadd.s32 $0xFFFFC180  }
0x57: {  	[spmem:s1] =	stream.indirect.scatter.add.f32 [tilespmem:s17], [sflag:$0x3], $0x80, s22, s16, $0xb8;
	[tilespmem:$0x1E800] =	vst v63  }
0x58: {  	_ =	swait.ge [sflag:s14], $0x3E80  }
0x59: {  	[sflag:s14] =	ssyncset.done $0x0  }
0x5a: {  	[sflag:s14] =	ssyncadd.s32 $0xFFFFC180  }
0x5b: {  	[tilespmem:s17], [sflag:$0x1] =	stream.indirect.gather [hbm4b:s4+s16], $0x80, s21, s16, $0xb8;
	[tilespmem:$0x1E800] =	vst v63  }
0x5c: {  	_ =	swait.ge [sflag:s20], $0x3E80  }
0x5d: {  	[sflag:s20] =	ssyncset.done $0x0  }
0x5e: {  	[sflag:s20] =	ssyncadd.s32 $0xFFFFC180  }
0x5f: {  	[spmem:s1] =	stream.indirect.scatter.add.f32 [tilespmem:s18], [sflag:$0x3], $0x80, s23, s16, $0xb8;
	[tilespmem:$0x1E800] =	vst v63  }
0x60: {  	_ =	swait.ge [sflag:s14], $0x3E80  }
0x61: {  	[sflag:s14] =	ssyncset.done $0x0  }
0x62: {  	[sflag:s14] =	ssyncadd.s32 $0xFFFFC180  }
0x63: {  	_ =	swait.ge [sflag:s19], $0x3E80  }
0x64: {  	[sflag:s19] =	ssyncset.done $0x0  }
0x65: {  	s26 =	simm.s32 $0x0;
	[sflag:s19] =	ssyncadd.s32 $0xFFFFC180  }
0x66: {  	[tilespmem:s26], [sflag:$0x3] =	stream.linear.gather [hbm4b:s9+s26], $0x1400, $0x38;
	[tilespmem:$0x1E800] =	vst v63  }
0x67: {  	_ =	swait.ge [sflag:s14], $0x1400  }
0x68: {  	[sflag:s14] =	ssyncset.done $0x0  }
0x69: {  	[sflag:s14] =	ssyncadd.s32 $0xFFFFEC00  }
0x6a: {  	[tilespmem:s15], [sflag:$0x3] =	stream.linear.gather [hbm4b:s10+s26], $0x1400, $0x38;
	[tilespmem:$0x1E800] =	vst v63  }
0x6b: {  	_ =	swait.ge [sflag:s14], $0x1400  }
0x6c: {  	[sflag:s14] =	ssyncset.done $0x0  }
0x6d: {  	[sflag:s14] =	ssyncadd.s32 $0xFFFFEC00  }
0x6e: {  	[tilespmem:s17], [sflag:$0x1] =	stream.indirect.gather [hbm4b:s4+s16], $0x80, s26, s16, $0xb8;
	[tilespmem:$0x1E800] =	vst v63  }
0x6f: {  	s28 =	simm.s32 $0x80  }
0x70: {  	[tilespmem:s18], [sflag:$0x2] =	stream.indirect.gather [hbm4b:s4+s16], $0x80, s28, s16, $0xb8;
	[tilespmem:$0x1E800] =	vst v63  }
0x71: {  	_ =	swait.ge [sflag:s19], $0x3E80  }
0x72: {  	[sflag:s19] =	ssyncset.done $0x0  }
0x73: {  	s29 =	simm.s32 $0x1400;
	[sflag:s19] =	ssyncadd.s32 $0xFFFFC180  }
0x74: {  	[spmem:s1] =	stream.indirect.scatter.add.f32 [tilespmem:s17], [sflag:$0x3], $0x80, s29, s16, $0xb8;
	[tilespmem:$0x1E800] =	vst v63  }
0x75: {  	_ =	swait.ge [sflag:s14], $0x3E80  }
0x76: {  	[sflag:s14] =	ssyncset.done $0x0  }
0x77: {  	s30 =	simm.s32 $0x100;
	[sflag:s14] =	ssyncadd.s32 $0xFFFFC180  }
0x78: {  	[tilespmem:s17], [sflag:$0x1] =	stream.indirect.gather [hbm4b:s4+s16], $0x80, s30, s16, $0xb8;
	[tilespmem:$0x1E800] =	vst v63  }
0x79: {  	_ =	swait.ge [sflag:s20], $0x3E80  }
0x7a: {  	[sflag:s20] =	ssyncset.done $0x0  }
0x7b: {  	s31 =	simm.s32 $0x1480;
	[sflag:s20] =	ssyncadd.s32 $0xFFFFC180  }
0x7c: {  	[spmem:s1] =	stream.indirect.scatter.add.f32 [tilespmem:s18], [sflag:$0x3], $0x80, s31, s16, $0xb8;
	[tilespmem:$0x1E800] =	vst v63  }
0x7d: {  	_ =	swait.ge [sflag:s14], $0x3E80  }
0x7e: {  	s25 =	simm.s32 $0x100;
	s26 =	simm.s32 $0x800;
	[sflag:s14] =	ssyncset.done $0x0  }
.LBB2_4:
0x7f: {  	s28 =	sadd.s32 $0x80, s25  }
0x80: {  	[sflag:s14] =	ssyncadd.s32 $0xFFFFC180;
	s29 =	smov.u32 s26;
	s30 =	sadd.s32 $0x400, s26  }
0x81: {  	[tilespmem:s18], [sflag:$0x2] =	stream.indirect.gather [hbm4b:s4+s16], $0x80, s28, s16, $0xb8;
	[tilespmem:$0x1E800] =	vst v63  }
0x82: {  	p0 =	sne.s32 s26, $0x4800;
	_ =	swait.ge [sflag:s19], $0x3E80  }
0x83: {  	[sflag:s19] =	ssyncset.done $0x0  }
0x84: {  	s26 =	sadd.s32 $0x1400, s25;
	[sflag:s19] =	ssyncadd.s32 $0xFFFFC180  }
0x85: {  	[spmem:s1] =	stream.indirect.scatter.add.f32 [tilespmem:s17], [sflag:$0x3], $0x80, s26, s16, $0xb8;
	[tilespmem:$0x1E800] =	vst v63  }
0x86: {  	_ =	swait.ge [sflag:s14], $0x3E80  }
0x87: {  	[sflag:s14] =	ssyncset.done $0x0  }
0x88: {  	s26 =	sadd.s32 $0x100, s25;
	[sflag:s14] =	ssyncadd.s32 $0xFFFFC180  }
0x89: {  	[tilespmem:s17], [sflag:$0x1] =	stream.indirect.gather [hbm4b:s4+s16], $0x80, s26, s16, $0xb8;
	[tilespmem:$0x1E800] =	vst v63  }
0x8a: {  	_ =	swait.ge [sflag:s20], $0x3E80  }
.Ltmp1:
0x8b: {  	[sflag:s20] =	ssyncset.done $0x0;
	(pc) =	sbr.rel @p0 .LBB2_4-.Ltmp1, $4  }
0x8c: {  	s25 =	sadd.s32 $0x1480, s25;
	[sflag:s20] =	ssyncadd.s32 $0xFFFFC180  }
0x8d: {  	[spmem:s1] =	stream.indirect.scatter.add.f32 [tilespmem:s18], [sflag:$0x3], $0x80, s25, s16, $0xb8;
	[tilespmem:$0x1E800] =	vst v63  }
0x8e: {  	_ =	swait.ge [sflag:s14], $0x3E80  }
0x8f: {  	s26 =	smov.u32 s30;
	s25 =	sshra.s32 s29, $0x2;
	[sflag:s14] =	ssyncset.done $0x0  }
0x90: {  	s26 =	sadd.s32 $0x80, s25;
	[sflag:s14] =	ssyncadd.s32 $0xFFFFC180  }
0x91: {  	[tilespmem:s18], [sflag:$0x2] =	stream.indirect.gather [hbm4b:s4+s16], $0x80, s26, s16, $0xb8;
	[tilespmem:$0x1E800] =	vst v63  }
0x92: {  	_ =	swait.ge [sflag:s19], $0x3E80  }
0x93: {  	[sflag:s19] =	ssyncset.done $0x0  }
0x94: {  	s29 =	sadd.s32 $0x1400, s25;
	[sflag:s19] =	ssyncadd.s32 $0xFFFFC180  }
0x95: {  	[spmem:s1] =	stream.indirect.scatter.add.f32 [tilespmem:s17], [sflag:$0x3], $0x80, s29, s16, $0xb8;
	[tilespmem:$0x1E800] =	vst v63  }
0x96: {  	_ =	swait.ge [sflag:s14], $0x3E80  }
0x97: {  	[sflag:s14] =	ssyncset.done $0x0  }
0x98: {  	s30 =	sadd.s32 $0x100, s25;
	[sflag:s14] =	ssyncadd.s32 $0xFFFFC180  }
0x99: {  	[tilespmem:s17], [sflag:$0x1] =	stream.indirect.gather [hbm4b:s4+s16], $0x80, s30, s16, $0xb8;
	[tilespmem:$0x1E800] =	vst v63  }
0x9a: {  	_ =	swait.ge [sflag:s20], $0x3E80  }
0x9b: {  	[sflag:s20] =	ssyncset.done $0x0  }
0x9c: {  	s31 =	sadd.s32 $0x1480, s25;
	[sflag:s20] =	ssyncadd.s32 $0xFFFFC180  }
0x9d: {  	[spmem:s1] =	stream.indirect.scatter.add.f32 [tilespmem:s18], [sflag:$0x3], $0x80, s31, s16, $0xb8;
	[tilespmem:$0x1E800] =	vst v63  }
0x9e: {  	_ =	swait.ge [sflag:s14], $0x3E80  }
0x9f: {  	[sflag:s14] =	ssyncset.done $0x0  }
0xa0: {  	[sflag:s14] =	ssyncadd.s32 $0xFFFFC180  }
0xa1: {  	[tilespmem:s18], [sflag:$0x2] =	stream.indirect.gather [hbm4b:s4+s16], $0x80, s21, s16, $0xb8;
	[tilespmem:$0x1E800] =	vst v63  }
0xa2: {  	_ =	swait.ge [sflag:s19], $0x3E80  }
0xa3: {  	[sflag:s19] =	ssyncset.done $0x0  }
0xa4: {  	[sflag:s19] =	ssyncadd.s32 $0xFFFFC180  }
0xa5: {  	[spmem:s1] =	stream.indirect.scatter.add.f32 [tilespmem:s17], [sflag:$0x3], $0x80, s22, s16, $0xb8;
	[tilespmem:$0x1E800] =	vst v63  }
0xa6: {  	_ =	swait.ge [sflag:s14], $0x3E80  }
0xa7: {  	[sflag:s14] =	ssyncset.done $0x0  }
0xa8: {  	[sflag:s14] =	ssyncadd.s32 $0xFFFFC180  }
0xa9: {  	[tilespmem:s17], [sflag:$0x1] =	stream.indirect.gather [hbm4b:s4+s16], $0x80, s21, s16, $0xb8;
	[tilespmem:$0x1E800] =	vst v63  }
0xaa: {  	_ =	swait.ge [sflag:s20], $0x3E80  }
0xab: {  	[sflag:s20] =	ssyncset.done $0x0  }
0xac: {  	[sflag:s20] =	ssyncadd.s32 $0xFFFFC180  }
0xad: {  	[spmem:s1] =	stream.indirect.scatter.add.f32 [tilespmem:s18], [sflag:$0x3], $0x80, s23, s16, $0xb8;
	[tilespmem:$0x1E800] =	vst v63  }
0xae: {  	_ =	swait.ge [sflag:s14], $0x3E80  }
0xaf: {  	[sflag:s14] =	ssyncset.done $0x0  }
0xb0: {  	[sflag:s14] =	ssyncadd.s32 $0xFFFFC180  }
0xb1: {  	_ =	swait.ge [sflag:s19], $0x3E80  }
0xb2: {  	s24 =	sadd.s32 $0x1, s24;
	[sflag:s19] =	ssyncset.done $0x0  }
0xb3: {  	p0 =	sne.s32 s24, s12;
	[sflag:s19] =	ssyncadd.s32 $0xFFFFC180  }
.Ltmp2:
0xb4: {  	[bflag:$0x0] =	sbarrier.arrive $0xFFFF;
	(pc) =	sbr.rel @p0 .LBB2_1-.Ltmp2, $4  }
0xb5: {  	[hbm:s11], [sflag:s6] =	dma.local [spmem:s13], $0x2800  }
0xb6: {  	_ =	swait.ge [sflag:s14], $0x2800  }
0xb7: {  	[sflag:s14] =	ssyncset.done $0x0  }
0xb8: {  	[sflag:s14] =	ssyncadd.s32 $0xFFFFD800  }
0xb9: {  	_ =	sfence.sel $0x180000  }
0xba: {  	[bflag:$0x0] =	sbarrier.arrive $0xFFFF  }
0xbb: {  	p0 =	sne.s32 s2, $0x0;
	_ =	strace $0x9000004D  }
0xbc: {  	s0 =	sadd.s32 @!p0 $0x100000, s0;
	[bflag:$0x2] =	sbarrier.arrive $0xFFFF  }
0xbd: {  	[sflag:s0] =	ssyncadd.tile.s32 @!p0 $0x1;
	_ =	shalt  }
.Lfunc_end2:
_tile_overlayer_lowered:
.L_overlay_start_2:
0xbe: {  	(tag) =	ssettag $0x2  }
0xbf: {  	s0 =	rddreg [dreg:$0x0];
	s2 =	stileid.u32  }
0xc0: {  	s1 =	rddreg [dreg:$0x1];
	p0 =	sne.s32 s2, $0x0  }
0xc1: {  	s3 =	rddreg [dreg:$0x2];
	[bflag:$0x3] =	sbarrier.arrive $0xFFFF;
	s2 =	simm.s32 @!p0 $0x1C03  }
0xc2: {  	[timem:s3], [sflag:s2] =	dma.local @!p0 [hbm:s0], s1  }
0xc3: {  	s0 =	simm.s32 @!p0 $0x3  }
0xc4: {  	_ =	swait.ge @!p0 [sflag:s0], s1  }
0xc5: {  	s1 =	ssub.s32 @!p0 $0x0, s1;
	[sflag:s0] =	ssyncset.done @!p0 $0x0  }
0xc6: {  	[sflag:s0] =	ssyncadd.s32 @!p0 s1  }
0xc7: {  	[bflag:$0x3] =	sbarrier.arrive $0xFFFF  }
0xc8: {  	_ =	shalt  }

// kernel: kernel.9.cloned.1.call-start
scs
__scs_entry_jumppad:
0x0: {  	(pc) =	sbr.rel $0x88, $3  }
0x1: {  	(tag) =	ssettag $0x0;
	lr =	simm.s32 $0x1  }
0x2: {  	[smem:$0x3F98] =	sst lr;
	_ =	strace $0xD0000000  }
0x3: {  	_ = 	snop  }
0x4: {  	_ = 	snop  }
0x5: {  	_ = 	snop  }
0x6: {  	_ = 	snop  }
0x7: {  	_ = 	snop  }
__scs_overlays_trampoline_lowered:
0x8: {  	[smem:$0x3FA7] =	sst s0  }
0x9: {  	[smem:$0x3FA8] =	sst s1  }
0xa: {  	[smem:$0x3FA9] =	sst s2  }
0xb: {  	[smem:$0x3FAA] =	sst s3  }
0xc: {  	[smem:$0x3FAB] =	sst s4  }
0xd: {  	[smem:$0x3FAC] =	sst s5  }
0xe: {  	[smem:$0x3FAD] =	sst s6  }
0xf: {  	[smem:$0x3FAE] =	sst s7  }
0x10: {  	[smem:$0x3FAF] =	sst s8  }
0x11: {  	[smem:$0x3FB0] =	sst s9;
	s0 =	simm.s32 @!p0 $0x0  }
0x12: {  	s1 =	sld [smem:$0x3F96];
	s0 =	simm.s32 @p0 $0x1  }
0x13: {  	[smem:$0x3FB1] =	sst s0;
	s0 =	simm.s32 @!p1 $0x0  }
0x14: {  	s2 =	sld [smem:$0x3F95];
	s0 =	simm.s32 @p1 $0x1  }
0x15: {  	[smem:$0x3FB2] =	sst s0;
	s0 =	simm.s32 @!p2 $0x0  }
0x16: {  	s3 =	sld [smem:$0x3FDB];
	s0 =	simm.s32 @p2 $0x1  }
0x17: {  	s4 =	simm.s32 $0x1BF5;
	[smem:$0x3FB4] =	sst s0  }
0x18: {  	s0 =	sld [smem:$0x3F97];
	_ =	swait.ge [sflag:s4], $0x0  }
0x19: {  	s7 =	sld [smem:$0x3F98]  }
0x1a: {  	s8 =	sadd.s32 $0xFFFFE003, lr  }
0x1b: {  	s9 =	sadd.s32 $0xFFFFFEF7, lr;
	s5 =	simm.s32 $0xFFFFFFFF;
	p2 =	slt.u32 s8, $0xFFFFF086  }
0x1c: {  	p1 =	slt.u32 s9, $0xF7A;
	s5 =	simm.s32 @!p2 $0x0  }
0x1d: {  	s5 =	simm.s32 @p1 $0x1;
	p0 =	seq.s32 s7, s2  }
0x1e: {  	s7 =	smul.u32 @!p0 $0xF7A, s2;
	p2 =	seq.s32 @!p0 s5, $0x0  }
0x1f: {  	s9 =	smul.u32 $0xF7A, s1;
	s8 =	simm.s32 @!p0 $0x1BF5;
	p2 =	por !p2, p0  }
0x20: {  	[sflag:s8] =	ssyncset.s32 @!p0 $0xFFFFF086;
	s6 =	sadd.s32 @!p0 s3, s7;
	s7 =	simm.s32 @!p0 $0x108  }
0x21: {  	s3 =	sadd.s32 s3, s9;
	s6 =	sadd.s32 @!p0 $0x88, s6;
	s7 =	simm.s32 @p2 $0x1082  }
0x22: {  	[simem:s7], [sflag:s8] =	dma.local @!p0 [hbm:s6], $0xF7A  }
0x23: {  	s9 =	sor.u32 $0xD0000000, s2;
	s6 =	simm.s32 $0x108;
	_ =	swait.ge @!p0 [sflag:s8], $0x0  }
0x24: {  	s3 =	sadd.s32 $0x88, s3;
	s6 =	simm.s32 @!p1 $0x1082;
	[sflag:s4] =	ssyncset.s32 $0xFFFFF086  }
0x25: {  	[simem:s6], [sflag:s4] =	dma.local [hbm:s3], $0xF7A  }
0x26: {  	[smem:$0x3F98] =	sst s1;
	(tag) =	ssettag s2;
	_ =	strace s9  }
0x27: {  	s1 =	sld [smem:$0x3FA8]  }
0x28: {  	s2 =	sld [smem:$0x3FA9]  }
0x29: {  	s4 =	sld [smem:$0x3FAB]  }
0x2a: {  	p0 =	seq.s32 s5, $0x0;
	s5 =	sld [smem:$0x3FAC]  }
0x2b: {  	s6 =	sld [smem:$0x3FAD]  }
0x2c: {  	s7 =	sld [smem:$0x3FAE]  }
0x2d: {  	s3 =	simm.s32 $0x108;
	s8 =	sld [smem:$0x3FAF]  }
0x2e: {  	s3 =	simm.s32 @!p0 $0x1082;
	s9 =	sld [smem:$0x3FB0]  }
0x2f: {  	lr =	sadd.s32 s0, s3;
	s0 =	sld [smem:$0x3FA7]  }
0x30: {  	s3 =	sld [smem:$0x3FAA]  }
0x31: {  	[smem:$0x3FB3] =	sst s10  }
0x32: {  	s10 =	sld [smem:$0x3FB1];
	_ =	sdelay $0x3  }
0x33: {  	p0 =	seq.s32 s10, $0x1;
	s10 =	sld [smem:$0x3FB3];
	_ =	sdelay $0x3  }
0x34: {  	[smem:$0x3FB3] =	sst s10  }
0x35: {  	s10 =	sld [smem:$0x3FB2];
	_ =	sdelay $0x3  }
0x36: {  	p1 =	seq.s32 s10, $0x1;
	s10 =	sld [smem:$0x3FB3];
	_ =	sdelay $0x3  }
0x37: {  	[smem:$0x3FB3] =	sst s10  }
0x38: {  	s10 =	sld [smem:$0x3FB4]  }
0x39: {  	_ = 	snop;
	(pc) =	sbr.ind lr, $3  }
0x3a: {  	_ = 	snop  }
0x3b: {  	_ = 	snop  }
0x3c: {  	p2 =	seq.s32 s10, $0x1;
	s10 =	sld [smem:$0x3FB3]  }
0x3d: {  	_ =	shalt  }
0x3e: {  	_ =	shalt  }
0x3f: {  	_ =	shalt  }
0x40: {  	_ =	shalt  }
0x41: {  	_ =	shalt  }
0x42: {  	_ =	shalt  }
0x43: {  	_ =	shalt  }
0x44: {  	_ =	shalt  }
0x45: {  	_ =	shalt  }
0x46: {  	_ =	shalt  }
0x47: {  	_ =	shalt  }
0x48: {  	_ =	shalt  }
0x49: {  	_ =	shalt  }
0x4a: {  	_ =	shalt  }
0x4b: {  	_ =	shalt  }
0x4c: {  	_ =	shalt  }
0x4d: {  	_ =	shalt  }
0x4e: {  	_ =	shalt  }
0x4f: {  	_ =	shalt  }
0x50: {  	_ =	shalt  }
0x51: {  	_ =	shalt  }
0x52: {  	_ =	shalt  }
0x53: {  	_ =	shalt  }
0x54: {  	_ =	shalt  }
0x55: {  	_ =	shalt  }
0x56: {  	_ =	shalt  }
0x57: {  	_ =	shalt  }
0x58: {  	_ =	shalt  }
0x59: {  	_ =	shalt  }
0x5a: {  	_ =	shalt  }
0x5b: {  	_ =	shalt  }
0x5c: {  	_ =	shalt  }
0x5d: {  	_ =	shalt  }
0x5e: {  	_ =	shalt  }
0x5f: {  	_ =	shalt  }
0x60: {  	_ =	shalt  }
0x61: {  	_ =	shalt  }
0x62: {  	_ =	shalt  }
0x63: {  	_ =	shalt  }
0x64: {  	_ =	shalt  }
0x65: {  	_ =	shalt  }
0x66: {  	_ =	shalt  }
0x67: {  	_ =	shalt  }
0x68: {  	_ =	shalt  }
0x69: {  	_ =	shalt  }
0x6a: {  	_ =	shalt  }
0x6b: {  	_ =	shalt  }
0x6c: {  	_ =	shalt  }
0x6d: {  	_ =	shalt  }
0x6e: {  	_ =	shalt  }
0x6f: {  	_ =	shalt  }
0x70: {  	_ =	shalt  }
0x71: {  	_ =	shalt  }
0x72: {  	_ =	shalt  }
0x73: {  	_ =	shalt  }
0x74: {  	_ =	shalt  }
0x75: {  	_ =	shalt  }
0x76: {  	_ =	shalt  }
0x77: {  	_ =	shalt  }
0x78: {  	_ =	shalt  }
0x79: {  	_ =	shalt  }
0x7a: {  	_ =	shalt  }
0x7b: {  	_ =	shalt  }
0x7c: {  	_ =	shalt  }
0x7d: {  	_ =	shalt  }
0x7e: {  	_ =	shalt  }
0x7f: {  	_ =	shalt  }
0x80: {  	_ =	shalt  }
0x81: {  	_ =	shalt  }
0x82: {  	_ =	shalt  }
0x83: {  	_ =	shalt  }
0x84: {  	_ =	shalt  }
0x85: {  	_ =	shalt  }
0x86: {  	_ =	shalt  }
0x87: {  	_ =	shalt  }
.Lfunc_end0:
.L_simem_size_0:
called_computation_lowered:
.L_overlay_start_0:
0x88: {  	s2 =	sld [smem:$0x3FD9]  }
0x89: {  	s3 =	sld [smem:$0x3FFE];
	_ =	sdelay $0x1  }
0x8a: {  	s1 =	srdreg.scid  }
0x8b: {  	s0 =	sand.u32 $0x1, s1  }
0x8c: {  	s16 =	sshll.u32 s0, $0xA;
	s2 =	sadd.s32 s3, s2  }
0x8d: {  	s2 =	sadd.s32 s2, s16  }
0x8e: {  	[smem:$0x3FBF] =	sst s2  }
0x8f: {  	_ = 	snop  }
0x90: {  	(tm) =	ssettm $0x1  }
0x91: {  	s17 =	sld [smem:$0x3FFB];
	_ =	sdelay $0x3  }
0x92: {  	_ =	strace s17  }
0x93: {  	s2 =	sld [smem:$0x3FFC];
	_ =	sdelay $0x3  }
0x94: {  	_ =	strace s2  }
0x95: {  	s2 =	sld [smem:$0x3FFD];
	_ =	sdelay $0x3  }
0x96: {  	_ =	strace s2  }
0x97: {  	_ =	strace $0x8FFFFFFF  }
0x98: {  	s18 =	sld [smem:$0x3FDB];
	_ =	sdelay $0x1  }
0x99: {  	s19 =	simm.s32 $_scs_section_size  }
0x9a: {  	s4 =	simm.s32 $_size__tile_overlayer_lowered;
	s5 =	simm.s32 $_tile_overlayer_lowered  }
0x9b: {  	s22 =	simm.s32 $0x1BFF;
	s21 =	sshll.u32 s5, $0x1;
	s2 =	sadd.s32 s19, s18  }
0x9c: {  	s6 =	simm.s32 $0x0;
	s20 =	sshll.u32 s4, $0x1;
	s4 =	sadd.s32 s21, s2  }
0x9d: {  	[timem:s6], [sflag:s22] =	dma.local [hbm:s4], s20  }
0x9e: {  	_ =	swait.ge [sflag:s22], s20  }
0x9f: {  	s3 =	ssub.s32 $0x0, s20;
	[sflag:s22] =	ssyncset.done $0x0  }
0xa0: {  	[sflag:s22] =	ssyncadd.s32 s3;
	_ =	sdelay $0x1  }
0xa1: {  	s23 =	simm.s32 $0x1B8B  }
0xa2: {  	_ =	swait.ge [sflag:s23], $0x1  }
0xa3: {  	[sflag:s23] =	ssyncset.done $0x0  }
0xa4: {  	s25 =	simm.s32 $0x1B8E;
	s24 =	sld [smem:$0x3FFE];
	[sflag:s23] =	ssyncadd.s32 $0xFFFFFFFF  }
0xa5: {  	s26 =	simm.s32 $execute0_lowered;
	[smem:$0x3FD2] =	sst s25  }
0xa6: {  	s4 =	sshll.u32 s26, $0x1;
	_ =	strace $0x80000046;
	[dreg:$0x1] =	wrdreg $0xFFFFFFFF  }
0xa7: {  	s28 =	simm.s32 $_size_execute0_lowered;
	s2 =	sadd.s32 s2, s4;
	[dreg:$0x0] =	wrdreg $0x0  }
0xa8: {  	s4 =	sshll.u32 s28, $0x1;
	[dreg:$0x2] =	wrdreg s2  }
0xa9: {  	[dreg:$0x3] =	wrdreg s4  }
0xaa: {  	[dreg:$0x4] =	wrdreg $0xC0  }
0xab: {  	_ =	task [dreg:s6], $0x5FFFF  }
0xac: {  	[dreg:$0x1] =	wrdreg $0xFFFFFFFF  }
0xad: {  	[dreg:$0x0] =	wrdreg $0x60  }
0xae: {  	[dreg:$0x2] =	wrdreg s24  }
0xaf: {  	[dreg:$0x3] =	wrdreg $0x54000  }
0xb0: {  	[dreg:$0x4] =	wrdreg $0x9  }
0xb1: {  	_ =	task.clear_ibuf [dreg:s6], $0x5FFFF;
	_ =	strace $0x90000046  }
0xb2: {  	s29 =	simm.s32 $0x9;
	_ =	strace $0x80000048  }
0xb3: {  	_ =	swait.ge [sflag:s29], $0x1  }
0xb4: {  	[sflag:s29] =	ssyncadd.s32 $0xFFFFFFFF  }
0xb5: {  	_ =	strace $0x90000048  }
0xb6: {  	_ =	sfence  }
0xb7: {  	s30 =	sld [smem:$0x0];
	_ =	sdelay $0x2  }
0xb8: {  	s31 =	sshll.u32 s1, $0xD;
	s1 =	sshrl.u32 s1, $0x2  }
0xb9: {  	s3 =	sand.u32 $0x4000, s31;
	s1 =	sadd.s32 s1, s30  }
0xba: {  	s0 =	sor.u32 s3, s0;
	s1 =	sshll.u32 s1, $0x11  }
0xbb: {  	s0 =	sor.u32 s1, s0  }
0xbc: {  	s0 =	sadd.s32 $0x8F2B, s0  }
0xbd: {  	[sflag:s0] =	ssyncadd.remote.s32 $0x1  }
0xbe: {  	_ =	sfence.sel $0xFFFF  }
0xbf: {  	[dreg:$0x0] =	wrdreg $0xFFFFFFFF;
	(pc) =	sbr.abs _section_cstart, $3  }
0xc0: {  	[dreg:$0x1] =	wrdreg $0xFFFFFFFF  }
0xc1: {  	_ =	task.clear_ibuf [dreg:s6], $0x2FFFF;
	_ =	strace $0x9FFFFFFF  }
0xc2: {  	(tm) =	ssettm $0x7FFFFFFF  }
0xc3: {  	_ =	shalt  }
tec
execute0_lowered:
.L_overlay_start_1:
0x0: {  	(tag) =	ssettag $0x1  }
0x1: {  	s0 =	srdreg.scid;
	s7 =	rddreg [dreg:$0x0]  }
0x2: {  	s2 =	rddreg [dreg:$0x1];
	s3 =	simm.s32 $0x0;
	s6 =	sand.u32 $0x1, s0  }
0x3: {  	s14 =	simm.s32 $0x7D;
	s0 =	stileid.u32;
	s5 =	smul.u32 $0x140000, s6  }
0x4: {  	s15 =	simm.s32 $0x0;
	[smem:$0x7FF] =	sst s3;
	s8 =	smul.u32 $0x14000, s0  }
0x5: {  	s1 =	sshll.u32 s6, $0x4;
	s10 =	smul.u32 $0x50000, s0;
	s6 =	ssub.s32 $0x2, s6  }
0x6: {  	s31 =	sshll.u32 s0, $0x6;
	s1 =	sor.u32 s0, s1;
	s29 =	sshrl.u32 s6, $0x1  }
0x7: {  	s4 =	smul.u32 $0x2800, s1;
	s1 =	rddreg [dreg:$0x2];
	_ =	strace $0x80000047  }
0x8: {  	s5 =	sadd.s32 s8, s5;
	s30 =	sshrl.u32 s10, $0x2;
	s12 =	ssub.s32 s6, s29  }
0x9: {  	s6 =	sor.u32 $0x1C01, s31;
	s8 =	sshrl.u32 s5, $0x3;
	s5 =	sadd.s32 $0xCA00, s7  }
0xa: {  	s13 =	sadd.s32 s30, s2;
	s10 =	smax.u32 s12, $0x1;
	s4 =	sshrl.u32 s4, $0x3  }
0xb: {  	s12 =	simm.s32 $0x1;
	s11 =	sadd.s32 s8, s7;
	s9 =	sadd.s32 s4, s7  }
0xc: {  	s4 =	sadd.s32 $0xF200, s7;
	s7 =	sadd.s32 $0x2A00, s9;
	s8 =	sadd.s32 $0x2C80, s9  }
0xd: {  	s9 =	sadd.s32 $0xFA00, s11;
	s11 =	sshrl.u32 s13, $0x3;
	s13 =	simm.s32 $0x1400  }
.LBB2_1:
0xe: {  	[spmem:s11], [sflag:s6] =	dma.local [hbm:s5], $0x2800  }
0xf: {  	_ =	swait.ge [sflag:s12], $0x2800  }
0x10: {  	[sflag:s12] =	ssyncset.done $0x0  }
0x11: {  	[sflag:s12] =	ssyncadd.s32 $0xFFFFD800  }
0x12: {  	[tilespmem:s13], [sflag:$0x1] =	stream.linear.gather [hbm4b:s4+s3], $0x3E80, $0x38;
	[tilespmem:$0x19400] =	vst v63  }
0x13: {  	_ =	swait.ge [sflag:s12], $0x3E80  }
0x14: {  	[sflag:s12] =	ssyncset.done $0x0  }
0x15: {  	[sflag:s12] =	ssyncadd.s32 $0xFFFFC180  }
0x16: {  	[bflag:$0x0] =	sbarrier.arrive $0xFFFF  }
0x17: {  	[tilespmem:s3], [sflag:$0x1] =	stream.linear.gather [hbm4b:s7+s3], $0x1400, $0x38;
	[tilespmem:$0x19400] =	vst v63  }
0x18: {  	_ =	swait.ge [sflag:s12], $0x1400  }
0x19: {  	[sflag:s12] =	ssyncset.done $0x0  }
0x1a: {  	s16 =	simm.s32 $0x0;
	[sflag:s12] =	ssyncadd.s32 $0xFFFFEC00  }
0x1b: {  	[spmem:s2] =	stream.indirect.scatter.add.f32 [tilespmem:s13], [sflag:$0x1], $0x80, s16, s14, $0xb8;
	[tilespmem:$0x19400] =	vst v63  }
0x1c: {  	_ =	swait.ge [sflag:s12], $0x3E80  }
0x1d: {  	s16 =	simm.s32 $0x200;
	[sflag:s12] =	ssyncset.done $0x0  }
.LBB2_2:
0x1e: {  	s17 =	sshra.s32 s16, $0x2;
	[sflag:s12] =	ssyncadd.s32 $0xFFFFC180;
	p0 =	sne.s32 s16, $0x4E00  }
0x1f: {  	[spmem:s2] =	stream.indirect.scatter.add.f32 [tilespmem:s13], [sflag:$0x1], $0x80, s17, s14, $0xb8;
	[tilespmem:$0x19400] =	vst v63  }
.Ltmp0:
0x20: {  	_ = 	snop;
	(pc) =	sbr.rel @p0 .LBB2_2-.Ltmp0, $4  }
0x21: {  	_ = 	snop  }
0x22: {  	s16 =	sadd.s32 $0x200, s16  }
0x23: {  	_ =	swait.ge [sflag:s12], $0x3E80  }
0x24: {  	[sflag:s12] =	ssyncset.done $0x0  }
0x25: {  	[sflag:s12] =	ssyncadd.s32 $0xFFFFC180;
	s16 =	simm.s32 $0x0  }
0x26: {  	[tilespmem:s16], [sflag:$0x1] =	stream.linear.gather [hbm4b:s8+s16], $0x1400, $0x38;
	[tilespmem:$0x19400] =	vst v63  }
0x27: {  	_ =	swait.ge [sflag:s12], $0x1400  }
0x28: {  	[sflag:s12] =	ssyncset.done $0x0  }
0x29: {  	s31 =	simm.s32 $0x0;
	[sflag:s12] =	ssyncadd.s32 $0xFFFFEC00  }
0x2a: {  	[spmem:s2] =	stream.indirect.scatter.add.f32 [tilespmem:s13], [sflag:$0x1], $0x80, s31, s14, $0xb8;
	[tilespmem:$0x19400] =	vst v63  }
0x2b: {  	_ =	swait.ge [sflag:s12], $0x3E80  }
0x2c: {  	s16 =	simm.s32 $0x200;
	[sflag:s12] =	ssyncset.done $0x0  }
.LBB2_4:
0x2d: {  	s17 =	sshra.s32 s16, $0x2;
	[sflag:s12] =	ssyncadd.s32 $0xFFFFC180;
	p0 =	sne.s32 s16, $0x4E00  }
0x2e: {  	[spmem:s2] =	stream.indirect.scatter.add.f32 [tilespmem:s13], [sflag:$0x1], $0x80, s17, s14, $0xb8;
	[tilespmem:$0x19400] =	vst v63  }
.Ltmp1:
0x2f: {  	_ = 	snop;
	(pc) =	sbr.rel @p0 .LBB2_4-.Ltmp1, $4  }
0x30: {  	_ = 	snop  }
0x31: {  	s16 =	sadd.s32 $0x200, s16  }
0x32: {  	_ =	swait.ge [sflag:s12], $0x3E80  }
0x33: {  	[sflag:s12] =	ssyncset.done $0x0  }
0x34: {  	s15 =	sadd.s32 $0x1, s15  }
0x35: {  	[sflag:s12] =	ssyncadd.s32 $0xFFFFC180;
	p0 =	sne.s32 s15, s10  }
.Ltmp2:
0x36: {  	[bflag:$0x0] =	sbarrier.arrive $0xFFFF;
	(pc) =	sbr.rel @p0 .LBB2_1-.Ltmp2, $4  }
0x37: {  	[hbm:s9], [sflag:s6] =	dma.local [spmem:s11], $0x2800  }
0x38: {  	_ =	swait.ge [sflag:s12], $0x2800  }
0x39: {  	[sflag:s12] =	ssyncset.done $0x0  }
0x3a: {  	[sflag:s12] =	ssyncadd.s32 $0xFFFFD800  }
0x3b: {  	_ =	sfence.sel $0x180000  }
0x3c: {  	[bflag:$0x0] =	sbarrier.arrive $0xFFFF  }
0x3d: {  	p0 =	sne.s32 s0, $0x0;
	_ =	strace $0x90000047  }
0x3e: {  	s0 =	sadd.s32 @!p0 $0x100000, s1;
	[bflag:$0x2] =	sbarrier.arrive $0xFFFF  }
0x3f: {  	[sflag:s0] =	ssyncadd.tile.s32 @!p0 $0x1;
	_ =	shalt  }
.Lfunc_end2:
_tile_overlayer_lowered:
.L_overlay_start_2:
0x40: {  	(tag) =	ssettag $0x2  }
0x41: {  	s0 =	rddreg [dreg:$0x0];
	s2 =	stileid.u32  }
0x42: {  	s1 =	rddreg [dreg:$0x1];
	p0 =	sne.s32 s2, $0x0  }
0x43: {  	s3 =	rddreg [dreg:$0x2];
	[bflag:$0x3] =	sbarrier.arrive $0xFFFF;
	s2 =	simm.s32 @!p0 $0x1C01  }
0x44: {  	[timem:s3], [sflag:s2] =	dma.local @!p0 [hbm:s0], s1  }
0x45: {  	s0 =	simm.s32 @!p0 $0x1  }
0x46: {  	_ =	swait.ge @!p0 [sflag:s0], s1  }
0x47: {  	s1 =	ssub.s32 @!p0 $0x0, s1;
	[sflag:s0] =	ssyncset.done @!p0 $0x0  }
0x48: {  	[sflag:s0] =	ssyncadd.s32 @!p0 s1  }
0x49: {  	[bflag:$0x3] =	sbarrier.arrive $0xFFFF  }
0x4a: {  	_ =	shalt  }

</sc_bundles>
